<compile_context>
chip_gen: v7x
topology: tpu7x:2x2x1
jax: 0.10.2.dev20260603
libtpu: 0.0.44.dev20260713+nightly
codegen_flags: <defaults>
</compile_context>

<pallas_src>
import jax
import jax.numpy as jnp
from jax import lax
from jax.experimental import pallas as pl
from jax.experimental.pallas import tpu as pltpu
from jax.experimental.pallas import tpu_sc as plsc

_N_E = 8192
_D = 32
_BETA = 0.25
_TOK = 8192
_TOK_TILE = 2048
_CODE_TILE = 512
_ACC_CHUNK = 2048
_N_CODE_TILES = _N_E // _CODE_TILE
_GRID = _TOK // _TOK_TILE

_NW = 32
_BPW = _TOK // _NW


def _dist_argmin_body(z_ref, zsq_ref, e_ref, idx_ref, loss_ref):
    z = z_ref[...].astype(jnp.bfloat16).astype(jnp.float32) * 2.0
    zsq = zsq_ref[...].reshape(1, _TOK_TILE)
    zsq_bits = lax.bitcast_convert_type(zsq, jnp.int32)
    zsq_bits_row = zsq_bits.reshape(_TOK_TILE)
    iota_f = lax.broadcasted_iota(
        jnp.int32, (_CODE_TILE, _TOK_TILE), 0).astype(jnp.float32)
    acc_v = None
    acc_e = None
    acc_i = None
    for cc in range(_N_E // _ACC_CHUNK):
        best_v = None
        best_i = None
        for c in range(_ACC_CHUNK // _CODE_TILE):
            lo = cc * _ACC_CHUNK + c * _CODE_TILE
            ec = e_ref[lo:lo + _CODE_TILE, :]
            m2 = lax.dot_general(ec, z, (((1,), (1,)), ((), ())),
                                 preferred_element_type=jnp.float32)
            esq = jnp.sum(ec * ec, axis=1, keepdims=True)
            d = (zsq + esq) - m2
            delta = lax.bitcast_convert_type(d, jnp.int32) - zsq_bits
            key = delta.astype(jnp.float32) * 512.0 + iota_f
            k = jnp.min(key, axis=0).astype(jnp.int32)
            li = (k & 511) + lo
            lv = lax.bitcast_convert_type((k >> 9) + zsq_bits_row,
                                          jnp.float32)
            if best_v is None:
                best_v, best_i = lv, li
            else:
                upd = lv < best_v
                best_v = jnp.where(upd, lv, best_v)
                best_i = jnp.where(upd, li, best_i)
        if acc_v is None:
            acc_e, acc_i = best_v, best_i
            acc_v = best_v.astype(jnp.bfloat16).astype(jnp.float32)
        else:
            take = best_v < acc_v
            acc_e = jnp.where(take, best_v, acc_e)
            acc_i = jnp.where(take, best_i, acc_i)
            acc_v = jnp.where(take, best_v, acc_v).astype(
                jnp.bfloat16).astype(jnp.float32)
    idx_ref[...] = acc_i.reshape(1, 1, _TOK_TILE)
    s = jnp.sum(acc_e)

    @pl.when(pl.program_id(0) == 0)
    def _init():
        loss_ref[0, 0] = s

    @pl.when(pl.program_id(0) != 0)
    def _acc():
        loss_ref[0, 0] = loss_ref[0, 0] + s


def _dist_argmin(z_flat, zsq2d, e):
    return pl.pallas_call(
        _dist_argmin_body,
        grid=(_GRID,),
        in_specs=[
            pl.BlockSpec((_TOK_TILE, _D), lambda i: (i, 0)),
            pl.BlockSpec((1, 1, _TOK_TILE), lambda i: (i, 0, 0)),
            pl.BlockSpec((_N_E, _D), lambda i: (0, 0)),
        ],
        out_specs=[
            pl.BlockSpec((1, 1, _TOK_TILE), lambda i: (i, 0, 0)),
            pl.BlockSpec(memory_space=pltpu.SMEM),
        ],
        out_shape=[
            jax.ShapeDtypeStruct((_GRID, 1, _TOK_TILE), jnp.int32),
            jax.ShapeDtypeStruct((1, 1), jnp.float32),
        ],
    )(z_flat, zsq2d, e)


def _sc_gather_body(table_hbm, idx_hbm, out_hbm, idx_v, rows_v, sem):
    wid = lax.axis_index("s") * 2 + lax.axis_index("c")
    base = wid * _BPW
    pltpu.sync_copy(idx_hbm.at[pl.ds(base, _BPW)], idx_v)
    pltpu.async_copy(table_hbm.at[idx_v], rows_v, sem).wait()
    pltpu.sync_copy(rows_v, out_hbm.at[pl.ds(base, _BPW)])


def _sc_gather(table, idx):
    mesh = plsc.VectorSubcoreMesh(core_axis_name="c", subcore_axis_name="s")
    k = pl.kernel(
        _sc_gather_body,
        out_type=jax.ShapeDtypeStruct((_TOK, _D), jnp.float32),
        mesh=mesh,
        scratch_types=[
            pltpu.VMEM((_BPW,), jnp.int32),
            pltpu.VMEM((_BPW, _D), jnp.float32),
            pltpu.SemaphoreType.DMA,
        ],
        compiler_params=pltpu.CompilerParams(use_tc_tiling_on_sc=False),
    )
    return k(table, idx)


def kernel(z, embedding_weight):
    z_p = jnp.transpose(z, (0, 2, 3, 1))
    z_flat = z_p.reshape(-1, _D)
    zsq2d = jnp.sum(z_flat ** 2, axis=1).reshape(_GRID, 1, _TOK_TILE)

    idx3, loss_sum = _dist_argmin(z_flat, zsq2d, embedding_weight)
    idx = idx3.reshape(_TOK)
    zq_flat = _sc_gather(embedding_weight, idx)

    m = loss_sum[0, 0] * (1.0 / float(z.size))
    loss = m + _BETA * m

    zq = zq_flat.reshape(z_p.shape)
    z_q = z_p + (zq - z_p)
    z_q = jnp.transpose(z_q, (0, 3, 1, 2))
    return (z_q, loss, idx)

# --- scband reference (transcript-rebuilt; emitter-appended) ---
"""Pipeline reference for scband-vector-quantizer-566935683707 (READ-ONLY COPY).

The authoritative reference and input builder live on the scoring server;
editing this copy changes nothing except your own understanding.
"""

import jax, jax.numpy as jnp
import numpy as np

N_E = 8192
E_DIM = 32
BETA = 0.25


def setup_inputs(seed: int = 0) -> dict:
    key = jax.random.key(seed)
    k1, k2 = jax.random.split(key)
    z = jax.random.normal(k1, (8, 32, 32, 32), dtype=jnp.float32)
    embedding_weight = jax.random.uniform(
        k2, (N_E, E_DIM), minval=-1.0 / N_E, maxval=1.0 / N_E, dtype=jnp.float32
    )
    return {"z": z, "embedding_weight": embedding_weight}


def reference(z, embedding_weight):
    # b c h w -> b h w c
    z_p = jnp.transpose(z, (0, 2, 3, 1))
    z_flat = z_p.reshape(-1, E_DIM)
    # squared L2 distances to all codebook entries
    d = (
        jnp.sum(z_flat ** 2, axis=1, keepdims=True)
        + jnp.sum(embedding_weight ** 2, axis=1)[None, :]
        - 2.0 * (z_flat @ embedding_weight.T)
    )
    min_encoding_indices = jnp.argmin(d, axis=1)
    z_q = jnp.take(embedding_weight, min_encoding_indices, axis=0).reshape(z_p.shape)
    sg = jax.lax.stop_gradient
    # legacy loss
    loss = jnp.mean((sg(z_q) - z_p) ** 2) + BETA * jnp.mean((z_q - sg(z_p)) ** 2)
    # straight-through estimator
    z_q = z_p + sg(z_q - z_p)
    # b h w c -> b c h w
    z_q = jnp.transpose(z_q, (0, 3, 1, 2))
    return (z_q, loss, min_encoding_indices)

if __name__ == "__main__":
    import jax
    _d = setup_inputs()
    print(jax.jit(kernel)(*tuple(_d.values())))

</pallas_src>

<mosaic_0001>
#map = affine_map<(d0, d1) -> (0, 0)>
#map1 = affine_map<(d0, d1) -> (0)>
module attributes {stable_mosaic.version = 14 : i64} {
  func.func @_sc_gather_body(%arg0: i32, %arg1: i32, %arg2: memref<8192x32xf32, #tpu.memory_space<hbm>>, %arg3: memref<8192xi32, #tpu.memory_space<hbm>>, %arg4: memref<8192x32xf32, #tpu.memory_space<hbm>>, %arg5: memref<256xi32, #tpu.memory_space<vmem>>, %arg6: memref<256x32xf32, #tpu.memory_space<vmem>>, %arg7: memref<!tpu.dma_semaphore, #tpu.memory_space<semaphore_mem>>) attributes {dimension_semantics = [#tpu.dimension_semantics<core_parallel>, #tpu.dimension_semantics<subcore_parallel>], iteration_bounds = array<i64: 2, 16>, scalar_prefetch = 0 : i64, scratch_operands = 3 : i64, tpu.core_type = #tpu.core_type<sc_vector_subcore>, window_params = [{transform_indices = #map}, {transform_indices = #map1}, {transform_indices = #map}]} {
    %mul3A = arith.constant 2 : i32
    %mul3A_0 = arith.muli %arg1, %mul3A : i32
    %add3A = arith.addi %mul3A_0, %arg0 : i32
    %mul3A_1 = arith.constant 256 : i32
    %mul3A_2 = arith.muli %add3A, %mul3A_1 : i32
    "tpu.region"() ({
      %run_scoped3A = tpu.sem_alloc : memref<!tpu.dma_semaphore, #tpu.memory_space<semaphore_mem>>
      %dma_start3A_7 = tpu.memref_slice %arg3[%mul3A_2] : memref<8192xi32, #tpu.memory_space<hbm>> -> memref<256xi32, #tpu.memory_space<hbm>>
      %dma_start3A_8 = tpu.memref_slice %arg3[%mul3A_2] : memref<8192xi32, #tpu.memory_space<hbm>> -> memref<256xi32, #tpu.memory_space<hbm>>
      tpu.enqueue_dma source(%dma_start3A_8 : memref<256xi32, #tpu.memory_space<hbm>>) target(%arg5 : memref<256xi32, #tpu.memory_space<vmem>>) target_semaphore(%run_scoped3A : memref<!tpu.dma_semaphore, #tpu.memory_space<semaphore_mem>>)
      %dma_wait3A_9 = tpu.memref_slice %arg3[%mul3A_2] : memref<8192xi32, #tpu.memory_space<hbm>> -> memref<256xi32, #tpu.memory_space<hbm>>
      %dma_wait3A_10 = tpu.memref_slice %arg3[%mul3A_2] : memref<8192xi32, #tpu.memory_space<hbm>> -> memref<256xi32, #tpu.memory_space<hbm>>
      tpu.wait_dma2 semaphore(%run_scoped3A : memref<!tpu.dma_semaphore, #tpu.memory_space<semaphore_mem>>) src(%dma_wait3A_10 : memref<256xi32, #tpu.memory_space<hbm>>) dst(%arg5 : memref<256xi32, #tpu.memory_space<vmem>>)
      tpu.yield
    }) : () -> ()
    %dma_start3A = arith.constant 0 : i32
    %dma_start3A_3 = arith.constant 0 : i32
    %dma_start3A_4 = tpu.memref_slice %arg2[%dma_start3A, %dma_start3A_3] : memref<8192x32xf32, #tpu.memory_space<hbm>> -> memref<8192x32xf32, #tpu.memory_space<hbm>>
    tpu.enqueue_indirect_dma source(%dma_start3A_4 : memref<8192x32xf32, #tpu.memory_space<hbm>>) target(%arg6 : memref<256x32xf32, #tpu.memory_space<vmem>>) offsets(%arg5 : memref<256xi32, #tpu.memory_space<vmem>>) semaphore(%arg7 : memref<!tpu.dma_semaphore, #tpu.memory_space<semaphore_mem>>)
    %dma_wait3A = arith.constant 0 : i32
    %dma_wait3A_5 = arith.constant 0 : i32
    %dma_wait3A_6 = tpu.memref_slice %arg2[%dma_wait3A, %dma_wait3A_5] : memref<8192x32xf32, #tpu.memory_space<hbm>> -> memref<8192x32xf32, #tpu.memory_space<hbm>>
    tpu.wait_indirect_dma semaphore(%arg7 : memref<!tpu.dma_semaphore, #tpu.memory_space<semaphore_mem>>) src(%dma_wait3A_6 : memref<8192x32xf32, #tpu.memory_space<hbm>>) dst(%arg6 : memref<256x32xf32, #tpu.memory_space<vmem>>)
    "tpu.region"() ({
      %run_scoped3A = tpu.sem_alloc : memref<!tpu.dma_semaphore, #tpu.memory_space<semaphore_mem>>
      %dma_start3A_7 = arith.constant 0 : i32
      %dma_start3A_8 = tpu.memref_slice %arg4[%mul3A_2, %dma_start3A_7] : memref<8192x32xf32, #tpu.memory_space<hbm>> -> memref<256x32xf32, #tpu.memory_space<hbm>>
      %dma_start3A_9 = arith.constant 0 : i32
      %dma_start3A_10 = tpu.memref_slice %arg4[%mul3A_2, %dma_start3A_9] : memref<8192x32xf32, #tpu.memory_space<hbm>> -> memref<256x32xf32, #tpu.memory_space<hbm>>
      tpu.enqueue_dma source(%arg6 : memref<256x32xf32, #tpu.memory_space<vmem>>) target(%dma_start3A_10 : memref<256x32xf32, #tpu.memory_space<hbm>>) target_semaphore(%run_scoped3A : memref<!tpu.dma_semaphore, #tpu.memory_space<semaphore_mem>>)
      %dma_wait3A_11 = arith.constant 0 : i32
      %dma_wait3A_12 = tpu.memref_slice %arg4[%mul3A_2, %dma_wait3A_11] : memref<8192x32xf32, #tpu.memory_space<hbm>> -> memref<256x32xf32, #tpu.memory_space<hbm>>
      %dma_wait3A_13 = arith.constant 0 : i32
      %dma_wait3A_14 = tpu.memref_slice %arg4[%mul3A_2, %dma_wait3A_13] : memref<8192x32xf32, #tpu.memory_space<hbm>> -> memref<256x32xf32, #tpu.memory_space<hbm>>
      tpu.wait_dma2 semaphore(%run_scoped3A : memref<!tpu.dma_semaphore, #tpu.memory_space<semaphore_mem>>) src(%arg6 : memref<256x32xf32, #tpu.memory_space<vmem>>) dst(%dma_wait3A_14 : memref<256x32xf32, #tpu.memory_space<hbm>>)
      tpu.yield
    }) : () -> ()
    return
  }
}

module attributes {stable_mosaic.version = 14 : i64} {
  func.func @_dist_argmin_body(%arg0: i32, %arg1: memref<2048x32xf32, #tpu.memory_space<vmem>>, %arg2: memref<1x1x2048xf32, #tpu.memory_space<vmem>>, %arg3: memref<8192x32xf32, #tpu.memory_space<vmem>>, %arg4: memref<1x1x2048xi32, #tpu.memory_space<vmem>>, %arg5: memref<1x1xf32, #tpu.memory_space<smem>>) attributes {dimension_semantics = [#tpu.dimension_semantics<arbitrary>], iteration_bounds = array<i64: 4>, scalar_prefetch = 0 : i64, scratch_operands = 0 : i64, tpu.core_type = #tpu.core_type<tc>, window_params = [{transform_indices = @transform_0, window_bounds = array<i64: 2048, 32>}, {transform_indices = @transform_1, window_bounds = array<i64: 1, 1, 2048>}, {pipeline_mode = #tpu.pipeline_mode<synchronous>, transform_indices = @transform_2, window_bounds = array<i64: 8192, 32>}, {transform_indices = @transform_3, window_bounds = array<i64: 1, 1, 2048>}, {transform_indices = @transform_4, window_bounds = array<i64: 1, 1>}]} {
    %get3A = arith.constant 0 : index
    %get3A_0 = arith.constant 0 : index
    %get3A_1 = vector.load %arg1[%get3A, %get3A_0] : memref<2048x32xf32, #tpu.memory_space<vmem>>, vector<2048x32xf32>
    %convert_element_type3A = arith.truncf %get3A_1 : vector<2048x32xf32> to vector<2048x32xbf16>
    %convert_element_type3A_2 = arith.extf %convert_element_type3A : vector<2048x32xbf16> to vector<2048x32xf32>
    %mul3A = arith.constant 2.000000e+00 : f32
    %mul3A_3 = vector.broadcast %mul3A : f32 to vector<2048x32xf32>
    %mul3A_4 = arith.mulf %convert_element_type3A_2, %mul3A_3 : vector<2048x32xf32>
    %get3A_5 = arith.constant 0 : index
    %get3A_6 = arith.constant 0 : index
    %get3A_7 = arith.constant 0 : index
    %get3A_8 = vector.load %arg2[%get3A_5, %get3A_6, %get3A_7] : memref<1x1x2048xf32, #tpu.memory_space<vmem>>, vector<1x1x2048xf32>
    %reshape3A = vector.shape_cast %get3A_8 : vector<1x1x2048xf32> to vector<1x2048xf32>
    %bitcast_convert_type3A = tpu.bitcast %reshape3A : vector<1x2048xf32> -> vector<1x2048xi32>
    %reshape3A_9 = vector.shape_cast %bitcast_convert_type3A : vector<1x2048xi32> to vector<2048xi32>
    %iota3A = tpu.iota {dimensions = array<i32: 0>} : vector<512x2048xi32>
    %convert_element_type3A_10 = arith.sitofp %iota3A : vector<512x2048xi32> to vector<512x2048xf32>
    %get3A_11 = arith.constant 0 : index
    %get3A_12 = arith.constant 0 : index
    %get3A_13 = vector.load %arg3[%get3A_11, %get3A_12] : memref<8192x32xf32, #tpu.memory_space<vmem>>, vector<512x32xf32>
    %dot_general3A = arith.constant dense<0.000000e+00> : vector<512x2048xf32>
    %dot_general3A_14 = tpu.matmul %get3A_13, %mul3A_4, %dot_general3A {dimension_numbers = #tpu.dot_dimension_numbers<[1], [1], [0], [0], [0, 0, 1, 0], [], []>, transpose_lhs_hint = false} : vector<512x32xf32>, vector<2048x32xf32>, vector<512x2048xf32> -> vector<512x2048xf32>
    %mul3A_15 = arith.mulf %get3A_13, %get3A_13 : vector<512x32xf32>
    %reduce_sum3A = arith.constant dense<0.000000e+00> : vector<512xf32>
    %reduce_sum3A_16 = vector.multi_reduction <add>, %mul3A_15, %reduce_sum3A [1] : vector<512x32xf32> to vector<512xf32>
    %broadcast_in_dim3A = vector.shape_cast %reduce_sum3A_16 : vector<512xf32> to vector<512x1xf32>
    %add3A = vector.broadcast %reshape3A : vector<1x2048xf32> to vector<512x2048xf32>
    %add3A_17 = vector.broadcast %broadcast_in_dim3A : vector<512x1xf32> to vector<512x2048xf32>
    %add3A_18 = arith.addf %add3A, %add3A_17 : vector<512x2048xf32>
    %sub3A = arith.subf %add3A_18, %dot_general3A_14 : vector<512x2048xf32>
    %bitcast_convert_type3A_19 = tpu.bitcast %sub3A : vector<512x2048xf32> -> vector<512x2048xi32>
    %sub3A_20 = vector.broadcast %bitcast_convert_type3A : vector<1x2048xi32> to vector<512x2048xi32>
    %sub3A_21 = arith.subi %bitcast_convert_type3A_19, %sub3A_20 : vector<512x2048xi32>
    %convert_element_type3A_22 = arith.sitofp %sub3A_21 : vector<512x2048xi32> to vector<512x2048xf32>
    %mul3A_23 = arith.constant 5.120000e+02 : f32
    %mul3A_24 = vector.broadcast %mul3A_23 : f32 to vector<512x2048xf32>
    %mul3A_25 = arith.mulf %convert_element_type3A_22, %mul3A_24 : vector<512x2048xf32>
    %add3A_26 = arith.addf %mul3A_25, %convert_element_type3A_10 : vector<512x2048xf32>
    %reduce_min3A = arith.constant dense<0x7F800000> : vector<2048xf32>
    %reduce_min3A_27 = vector.multi_reduction <minimumf>, %add3A_26, %reduce_min3A [0] : vector<512x2048xf32> to vector<2048xf32>
    %convert_element_type3A_28 = arith.fptosi %reduce_min3A_27 : vector<2048xf32> to vector<2048xi32>
    %and3A = arith.constant 511 : i32
    %and3A_29 = vector.broadcast %and3A : i32 to vector<2048xi32>
    %and3A_30 = arith.andi %convert_element_type3A_28, %and3A_29 : vector<2048xi32>
    %add3A_31 = arith.constant 0 : i32
    %add3A_32 = vector.broadcast %add3A_31 : i32 to vector<2048xi32>
    %add3A_33 = arith.addi %and3A_30, %add3A_32 : vector<2048xi32>
    %shift_right_arithmetic3A = arith.constant 9 : i32
    %shift_right_arithmetic3A_34 = vector.broadcast %shift_right_arithmetic3A : i32 to vector<2048xi32>
    %shift_right_arithmetic3A_35 = arith.shrsi %convert_element_type3A_28, %shift_right_arithmetic3A_34 : vector<2048xi32>
    %add3A_36 = arith.addi %shift_right_arithmetic3A_35, %reshape3A_9 : vector<2048xi32>
    %bitcast_convert_type3A_37 = tpu.bitcast %add3A_36 : vector<2048xi32> -> vector<2048xf32>
    %get3A_38 = arith.constant 512 : index
    %get3A_39 = arith.constant 0 : index
    %get3A_40 = vector.load %arg3[%get3A_38, %get3A_39] : memref<8192x32xf32, #tpu.memory_space<vmem>>, vector<512x32xf32>
    %dot_general3A_41 = arith.constant dense<0.000000e+00> : vector<512x2048xf32>
    %dot_general3A_42 = tpu.matmul %get3A_40, %mul3A_4, %dot_general3A_41 {dimension_numbers = #tpu.dot_dimension_numbers<[1], [1], [0], [0], [0, 0, 1, 0], [], []>, transpose_lhs_hint = false} : vector<512x32xf32>, vector<2048x32xf32>, vector<512x2048xf32> -> vector<512x2048xf32>
    %mul3A_43 = arith.mulf %get3A_40, %get3A_40 : vector<512x32xf32>
    %reduce_sum3A_44 = arith.constant dense<0.000000e+00> : vector<512xf32>
    %reduce_sum3A_45 = vector.multi_reduction <add>, %mul3A_43, %reduce_sum3A_44 [1] : vector<512x32xf32> to vector<512xf32>
    %broadcast_in_dim3A_46 = vector.shape_cast %reduce_sum3A_45 : vector<512xf32> to vector<512x1xf32>
    %add3A_47 = vector.broadcast %reshape3A : vector<1x2048xf32> to vector<512x2048xf32>
    %add3A_48 = vector.broadcast %broadcast_in_dim3A_46 : vector<512x1xf32> to vector<512x2048xf32>
    %add3A_49 = arith.addf %add3A_47, %add3A_48 : vector<512x2048xf32>
    %sub3A_50 = arith.subf %add3A_49, %dot_general3A_42 : vector<512x2048xf32>
    %bitcast_convert_type3A_51 = tpu.bitcast %sub3A_50 : vector<512x2048xf32> -> vector<512x2048xi32>
    %sub3A_52 = vector.broadcast %bitcast_convert_type3A : vector<1x2048xi32> to vector<512x2048xi32>
    %sub3A_53 = arith.subi %bitcast_convert_type3A_51, %sub3A_52 : vector<512x2048xi32>
    %convert_element_type3A_54 = arith.sitofp %sub3A_53 : vector<512x2048xi32> to vector<512x2048xf32>
    %mul3A_55 = arith.constant 5.120000e+02 : f32
    %mul3A_56 = vector.broadcast %mul3A_55 : f32 to vector<512x2048xf32>
    %mul3A_57 = arith.mulf %convert_element_type3A_54, %mul3A_56 : vector<512x2048xf32>
    %add3A_58 = arith.addf %mul3A_57, %convert_element_type3A_10 : vector<512x2048xf32>
    %reduce_min3A_59 = arith.constant dense<0x7F800000> : vector<2048xf32>
    %reduce_min3A_60 = vector.multi_reduction <minimumf>, %add3A_58, %reduce_min3A_59 [0] : vector<512x2048xf32> to vector<2048xf32>
    %convert_element_type3A_61 = arith.fptosi %reduce_min3A_60 : vector<2048xf32> to vector<2048xi32>
    %and3A_62 = arith.constant 511 : i32
    %and3A_63 = vector.broadcast %and3A_62 : i32 to vector<2048xi32>
    %and3A_64 = arith.andi %convert_element_type3A_61, %and3A_63 : vector<2048xi32>
    %add3A_65 = arith.constant 512 : i32
    %add3A_66 = vector.broadcast %add3A_65 : i32 to vector<2048xi32>
    %add3A_67 = arith.addi %and3A_64, %add3A_66 : vector<2048xi32>
    %shift_right_arithmetic3A_68 = arith.constant 9 : i32
    %shift_right_arithmetic3A_69 = vector.broadcast %shift_right_arithmetic3A_68 : i32 to vector<2048xi32>
    %shift_right_arithmetic3A_70 = arith.shrsi %convert_element_type3A_61, %shift_right_arithmetic3A_69 : vector<2048xi32>
    %add3A_71 = arith.addi %shift_right_arithmetic3A_70, %reshape3A_9 : vector<2048xi32>
    %bitcast_convert_type3A_72 = tpu.bitcast %add3A_71 : vector<2048xi32> -> vector<2048xf32>
    %lt3A = arith.cmpf olt, %bitcast_convert_type3A_72, %bitcast_convert_type3A_37 : vector<2048xf32>
    %select_n3A = arith.select %lt3A, %bitcast_convert_type3A_72, %bitcast_convert_type3A_37 : vector<2048xi1>, vector<2048xf32>
    %select_n3A_73 = arith.select %lt3A, %add3A_67, %add3A_33 : vector<2048xi1>, vector<2048xi32>
    %get3A_74 = arith.constant 1024 : index
    %get3A_75 = arith.constant 0 : index
    %get3A_76 = vector.load %arg3[%get3A_74, %get3A_75] : memref<8192x32xf32, #tpu.memory_space<vmem>>, vector<512x32xf32>
    %dot_general3A_77 = arith.constant dense<0.000000e+00> : vector<512x2048xf32>
    %dot_general3A_78 = tpu.matmul %get3A_76, %mul3A_4, %dot_general3A_77 {dimension_numbers = #tpu.dot_dimension_numbers<[1], [1], [0], [0], [0, 0, 1, 0], [], []>, transpose_lhs_hint = false} : vector<512x32xf32>, vector<2048x32xf32>, vector<512x2048xf32> -> vector<512x2048xf32>
    %mul3A_79 = arith.mulf %get3A_76, %get3A_76 : vector<512x32xf32>
    %reduce_sum3A_80 = arith.constant dense<0.000000e+00> : vector<512xf32>
    %reduce_sum3A_81 = vector.multi_reduction <add>, %mul3A_79, %reduce_sum3A_80 [1] : vector<512x32xf32> to vector<512xf32>
    %broadcast_in_dim3A_82 = vector.shape_cast %reduce_sum3A_81 : vector<512xf32> to vector<512x1xf32>
    %add3A_83 = vector.broadcast %reshape3A : vector<1x2048xf32> to vector<512x2048xf32>
    %add3A_84 = vector.broadcast %broadcast_in_dim3A_82 : vector<512x1xf32> to vector<512x2048xf32>
    %add3A_85 = arith.addf %add3A_83, %add3A_84 : vector<512x2048xf32>
    %sub3A_86 = arith.subf %add3A_85, %dot_general3A_78 : vector<512x2048xf32>
    %bitcast_convert_type3A_87 = tpu.bitcast %sub3A_86 : vector<512x2048xf32> -> vector<512x2048xi32>
    %sub3A_88 = vector.broadcast %bitcast_convert_type3A : vector<1x2048xi32> to vector<512x2048xi32>
    %sub3A_89 = arith.subi %bitcast_convert_type3A_87, %sub3A_88 : vector<512x2048xi32>
    %convert_element_type3A_90 = arith.sitofp %sub3A_89 : vector<512x2048xi32> to vector<512x2048xf32>
    %mul3A_91 = arith.constant 5.120000e+02 : f32
    %mul3A_92 = vector.broadcast %mul3A_91 : f32 to vector<512x2048xf32>
    %mul3A_93 = arith.mulf %convert_element_type3A_90, %mul3A_92 : vector<512x2048xf32>
    %add3A_94 = arith.addf %mul3A_93, %convert_element_type3A_10 : vector<512x2048xf32>
    %reduce_min3A_95 = arith.constant dense<0x7F800000> : vector<2048xf32>
    %reduce_min3A_96 = vector.multi_reduction <minimumf>, %add3A_94, %reduce_min3A_95 [0] : vector<512x2048xf32> to vector<2048xf32>
    %convert_element_type3A_97 = arith.fptosi %reduce_min3A_96 : vector<2048xf32> to vector<2048xi32>
    %and3A_98 = arith.constant 511 : i32
    %and3A_99 = vector.broadcast %and3A_98 : i32 to vector<2048xi32>
    %and3A_100 = arith.andi %convert_element_type3A_97, %and3A_99 : vector<2048xi32>
    %add3A_101 = arith.constant 1024 : i32
    %add3A_102 = vector.broadcast %add3A_101 : i32 to vector<2048xi32>
    %add3A_103 = arith.addi %and3A_100, %add3A_102 : vector<2048xi32>
    %shift_right_arithmetic3A_104 = arith.constant 9 : i32
    %shift_right_arithmetic3A_105 = vector.broadcast %shift_right_arithmetic3A_104 : i32 to vector<2048xi32>
    %shift_right_arithmetic3A_106 = arith.shrsi %convert_element_type3A_97, %shift_right_arithmetic3A_105 : vector<2048xi32>
    %add3A_107 = arith.addi %shift_right_arithmetic3A_106, %reshape3A_9 : vector<2048xi32>
    %bitcast_convert_type3A_108 = tpu.bitcast %add3A_107 : vector<2048xi32> -> vector<2048xf32>
    %lt3A_109 = arith.cmpf olt, %bitcast_convert_type3A_108, %select_n3A : vector<2048xf32>
    %select_n3A_110 = arith.select %lt3A_109, %bitcast_convert_type3A_108, %select_n3A : vector<2048xi1>, vector<2048xf32>
    %select_n3A_111 = arith.select %lt3A_109, %add3A_103, %select_n3A_73 : vector<2048xi1>, vector<2048xi32>
    %get3A_112 = arith.constant 1536 : index
    %get3A_113 = arith.constant 0 : index
    %get3A_114 = vector.load %arg3[%get3A_112, %get3A_113] : memref<8192x32xf32, #tpu.memory_space<vmem>>, vector<512x32xf32>
    %dot_general3A_115 = arith.constant dense<0.000000e+00> : vector<512x2048xf32>
    %dot_general3A_116 = tpu.matmul %get3A_114, %mul3A_4, %dot_general3A_115 {dimension_numbers = #tpu.dot_dimension_numbers<[1], [1], [0], [0], [0, 0, 1, 0], [], []>, transpose_lhs_hint = false} : vector<512x32xf32>, vector<2048x32xf32>, vector<512x2048xf32> -> vector<512x2048xf32>
    %mul3A_117 = arith.mulf %get3A_114, %get3A_114 : vector<512x32xf32>
    %reduce_sum3A_118 = arith.constant dense<0.000000e+00> : vector<512xf32>
    %reduce_sum3A_119 = vector.multi_reduction <add>, %mul3A_117, %reduce_sum3A_118 [1] : vector<512x32xf32> to vector<512xf32>
    %broadcast_in_dim3A_120 = vector.shape_cast %reduce_sum3A_119 : vector<512xf32> to vector<512x1xf32>
    %add3A_121 = vector.broadcast %reshape3A : vector<1x2048xf32> to vector<512x2048xf32>
    %add3A_122 = vector.broadcast %broadcast_in_dim3A_120 : vector<512x1xf32> to vector<512x2048xf32>
    %add3A_123 = arith.addf %add3A_121, %add3A_122 : vector<512x2048xf32>
    %sub3A_124 = arith.subf %add3A_123, %dot_general3A_116 : vector<512x2048xf32>
    %bitcast_convert_type3A_125 = tpu.bitcast %sub3A_124 : vector<512x2048xf32> -> vector<512x2048xi32>
    %sub3A_126 = vector.broadcast %bitcast_convert_type3A : vector<1x2048xi32> to vector<512x2048xi32>
    %sub3A_127 = arith.subi %bitcast_convert_type3A_125, %sub3A_126 : vector<512x2048xi32>
    %convert_element_type3A_128 = arith.sitofp %sub3A_127 : vector<512x2048xi32> to vector<512x2048xf32>
    %mul3A_129 = arith.constant 5.120000e+02 : f32
    %mul3A_130 = vector.broadcast %mul3A_129 : f32 to vector<512x2048xf32>
    %mul3A_131 = arith.mulf %convert_element_type3A_128, %mul3A_130 : vector<512x2048xf32>
    %add3A_132 = arith.addf %mul3A_131, %convert_element_type3A_10 : vector<512x2048xf32>
    %reduce_min3A_133 = arith.constant dense<0x7F800000> : vector<2048xf32>
    %reduce_min3A_134 = vector.multi_reduction <minimumf>, %add3A_132, %reduce_min3A_133 [0] : vector<512x2048xf32> to vector<2048xf32>
    %convert_element_type3A_135 = arith.fptosi %reduce_min3A_134 : vector<2048xf32> to vector<2048xi32>
    %and3A_136 = arith.constant 511 : i32
    %and3A_137 = vector.broadcast %and3A_136 : i32 to vector<2048xi32>
    %and3A_138 = arith.andi %convert_element_type3A_135, %and3A_137 : vector<2048xi32>
    %add3A_139 = arith.constant 1536 : i32
    %add3A_140 = vector.broadcast %add3A_139 : i32 to vector<2048xi32>
    %add3A_141 = arith.addi %and3A_138, %add3A_140 : vector<2048xi32>
    %shift_right_arithmetic3A_142 = arith.constant 9 : i32
    %shift_right_arithmetic3A_143 = vector.broadcast %shift_right_arithmetic3A_142 : i32 to vector<2048xi32>
    %shift_right_arithmetic3A_144 = arith.shrsi %convert_element_type3A_135, %shift_right_arithmetic3A_143 : vector<2048xi32>
    %add3A_145 = arith.addi %shift_right_arithmetic3A_144, %reshape3A_9 : vector<2048xi32>
    %bitcast_convert_type3A_146 = tpu.bitcast %add3A_145 : vector<2048xi32> -> vector<2048xf32>
    %lt3A_147 = arith.cmpf olt, %bitcast_convert_type3A_146, %select_n3A_110 : vector<2048xf32>
    %select_n3A_148 = arith.select %lt3A_147, %bitcast_convert_type3A_146, %select_n3A_110 : vector<2048xi1>, vector<2048xf32>
    %select_n3A_149 = arith.select %lt3A_147, %add3A_141, %select_n3A_111 : vector<2048xi1>, vector<2048xi32>
    %convert_element_type3A_150 = arith.truncf %select_n3A_148 : vector<2048xf32> to vector<2048xbf16>
    %convert_element_type3A_151 = arith.extf %convert_element_type3A_150 : vector<2048xbf16> to vector<2048xf32>
    %get3A_152 = arith.constant 2048 : index
    %get3A_153 = arith.constant 0 : index
    %get3A_154 = vector.load %arg3[%get3A_152, %get3A_153] : memref<8192x32xf32, #tpu.memory_space<vmem>>, vector<512x32xf32>
    %dot_general3A_155 = arith.constant dense<0.000000e+00> : vector<512x2048xf32>
    %dot_general3A_156 = tpu.matmul %get3A_154, %mul3A_4, %dot_general3A_155 {dimension_numbers = #tpu.dot_dimension_numbers<[1], [1], [0], [0], [0, 0, 1, 0], [], []>, transpose_lhs_hint = false} : vector<512x32xf32>, vector<2048x32xf32>, vector<512x2048xf32> -> vector<512x2048xf32>
    %mul3A_157 = arith.mulf %get3A_154, %get3A_154 : vector<512x32xf32>
    %reduce_sum3A_158 = arith.constant dense<0.000000e+00> : vector<512xf32>
    %reduce_sum3A_159 = vector.multi_reduction <add>, %mul3A_157, %reduce_sum3A_158 [1] : vector<512x32xf32> to vector<512xf32>
    %broadcast_in_dim3A_160 = vector.shape_cast %reduce_sum3A_159 : vector<512xf32> to vector<512x1xf32>
    %add3A_161 = vector.broadcast %reshape3A : vector<1x2048xf32> to vector<512x2048xf32>
    %add3A_162 = vector.broadcast %broadcast_in_dim3A_160 : vector<512x1xf32> to vector<512x2048xf32>
    %add3A_163 = arith.addf %add3A_161, %add3A_162 : vector<512x2048xf32>
    %sub3A_164 = arith.subf %add3A_163, %dot_general3A_156 : vector<512x2048xf32>
    %bitcast_convert_type3A_165 = tpu.bitcast %sub3A_164 : vector<512x2048xf32> -> vector<512x2048xi32>
    %sub3A_166 = vector.broadcast %bitcast_convert_type3A : vector<1x2048xi32> to vector<512x2048xi32>
    %sub3A_167 = arith.subi %bitcast_convert_type3A_165, %sub3A_166 : vector<512x2048xi32>
    %convert_element_type3A_168 = arith.sitofp %sub3A_167 : vector<512x2048xi32> to vector<512x2048xf32>
    %mul3A_169 = arith.constant 5.120000e+02 : f32
    %mul3A_170 = vector.broadcast %mul3A_169 : f32 to vector<512x2048xf32>
    %mul3A_171 = arith.mulf %convert_element_type3A_168, %mul3A_170 : vector<512x2048xf32>
    %add3A_172 = arith.addf %mul3A_171, %convert_element_type3A_10 : vector<512x2048xf32>
    %reduce_min3A_173 = arith.constant dense<0x7F800000> : vector<2048xf32>
    %reduce_min3A_174 = vector.multi_reduction <minimumf>, %add3A_172, %reduce_min3A_173 [0] : vector<512x2048xf32> to vector<2048xf32>
    %convert_element_type3A_175 = arith.fptosi %reduce_min3A_174 : vector<2048xf32> to vector<2048xi32>
    %and3A_176 = arith.constant 511 : i32
    %and3A_177 = vector.broadcast %and3A_176 : i32 to vector<2048xi32>
    %and3A_178 = arith.andi %convert_element_type3A_175, %and3A_177 : vector<2048xi32>
    %add3A_179 = arith.constant 2048 : i32
    %add3A_180 = vector.broadcast %add3A_179 : i32 to vector<2048xi32>
    %add3A_181 = arith.addi %and3A_178, %add3A_180 : vector<2048xi32>
    %shift_right_arithmetic3A_182 = arith.constant 9 : i32
    %shift_right_arithmetic3A_183 = vector.broadcast %shift_right_arithmetic3A_182 : i32 to vector<2048xi32>
    %shift_right_arithmetic3A_184 = arith.shrsi %convert_element_type3A_175, %shift_right_arithmetic3A_183 : vector<2048xi32>
    %add3A_185 = arith.addi %shift_right_arithmetic3A_184, %reshape3A_9 : vector<2048xi32>
    %bitcast_convert_type3A_186 = tpu.bitcast %add3A_185 : vector<2048xi32> -> vector<2048xf32>
    %get3A_187 = arith.constant 2560 : index
    %get3A_188 = arith.constant 0 : index
    %get3A_189 = vector.load %arg3[%get3A_187, %get3A_188] : memref<8192x32xf32, #tpu.memory_space<vmem>>, vector<512x32xf32>
    %dot_general3A_190 = arith.constant dense<0.000000e+00> : vector<512x2048xf32>
    %dot_general3A_191 = tpu.matmul %get3A_189, %mul3A_4, %dot_general3A_190 {dimension_numbers = #tpu.dot_dimension_numbers<[1], [1], [0], [0], [0, 0, 1, 0], [], []>, transpose_lhs_hint = false} : vector<512x32xf32>, vector<2048x32xf32>, vector<512x2048xf32> -> vector<512x2048xf32>
    %mul3A_192 = arith.mulf %get3A_189, %get3A_189 : vector<512x32xf32>
    %reduce_sum3A_193 = arith.constant dense<0.000000e+00> : vector<512xf32>
    %reduce_sum3A_194 = vector.multi_reduction <add>, %mul3A_192, %reduce_sum3A_193 [1] : vector<512x32xf32> to vector<512xf32>
    %broadcast_in_dim3A_195 = vector.shape_cast %reduce_sum3A_194 : vector<512xf32> to vector<512x1xf32>
    %add3A_196 = vector.broadcast %reshape3A : vector<1x2048xf32> to vector<512x2048xf32>
    %add3A_197 = vector.broadcast %broadcast_in_dim3A_195 : vector<512x1xf32> to vector<512x2048xf32>
    %add3A_198 = arith.addf %add3A_196, %add3A_197 : vector<512x2048xf32>
    %sub3A_199 = arith.subf %add3A_198, %dot_general3A_191 : vector<512x2048xf32>
    %bitcast_convert_type3A_200 = tpu.bitcast %sub3A_199 : vector<512x2048xf32> -> vector<512x2048xi32>
    %sub3A_201 = vector.broadcast %bitcast_convert_type3A : vector<1x2048xi32> to vector<512x2048xi32>
    %sub3A_202 = arith.subi %bitcast_convert_type3A_200, %sub3A_201 : vector<512x2048xi32>
    %convert_element_type3A_203 = arith.sitofp %sub3A_202 : vector<512x2048xi32> to vector<512x2048xf32>
    %mul3A_204 = arith.constant 5.120000e+02 : f32
    %mul3A_205 = vector.broadcast %mul3A_204 : f32 to vector<512x2048xf32>
    %mul3A_206 = arith.mulf %convert_element_type3A_203, %mul3A_205 : vector<512x2048xf32>
    %add3A_207 = arith.addf %mul3A_206, %convert_element_type3A_10 : vector<512x2048xf32>
    %reduce_min3A_208 = arith.constant dense<0x7F800000> : vector<2048xf32>
    %reduce_min3A_209 = vector.multi_reduction <minimumf>, %add3A_207, %reduce_min3A_208 [0] : vector<512x2048xf32> to vector<2048xf32>
    %convert_element_type3A_210 = arith.fptosi %reduce_min3A_209 : vector<2048xf32> to vector<2048xi32>
    %and3A_211 = arith.constant 511 : i32
    %and3A_212 = vector.broadcast %and3A_211 : i32 to vector<2048xi32>
    %and3A_213 = arith.andi %convert_element_type3A_210, %and3A_212 : vector<2048xi32>
    %add3A_214 = arith.constant 2560 : i32
    %add3A_215 = vector.broadcast %add3A_214 : i32 to vector<2048xi32>
    %add3A_216 = arith.addi %and3A_213, %add3A_215 : vector<2048xi32>
    %shift_right_arithmetic3A_217 = arith.constant 9 : i32
    %shift_right_arithmetic3A_218 = vector.broadcast %shift_right_arithmetic3A_217 : i32 to vector<2048xi32>
    %shift_right_arithmetic3A_219 = arith.shrsi %convert_element_type3A_210, %shift_right_arithmetic3A_218 : vector<2048xi32>
    %add3A_220 = arith.addi %shift_right_arithmetic3A_219, %reshape3A_9 : vector<2048xi32>
    %bitcast_convert_type3A_221 = tpu.bitcast %add3A_220 : vector<2048xi32> -> vector<2048xf32>
    %lt3A_222 = arith.cmpf olt, %bitcast_convert_type3A_221, %bitcast_convert_type3A_186 : vector<2048xf32>
    %select_n3A_223 = arith.select %lt3A_222, %bitcast_convert_type3A_221, %bitcast_convert_type3A_186 : vector<2048xi1>, vector<2048xf32>
    %select_n3A_224 = arith.select %lt3A_222, %add3A_216, %add3A_181 : vector<2048xi1>, vector<2048xi32>
    %get3A_225 = arith.constant 3072 : index
    %get3A_226 = arith.constant 0 : index
    %get3A_227 = vector.load %arg3[%get3A_225, %get3A_226] : memref<8192x32xf32, #tpu.memory_space<vmem>>, vector<512x32xf32>
    %dot_general3A_228 = arith.constant dense<0.000000e+00> : vector<512x2048xf32>
    %dot_general3A_229 = tpu.matmul %get3A_227, %mul3A_4, %dot_general3A_228 {dimension_numbers = #tpu.dot_dimension_numbers<[1], [1], [0], [0], [0, 0, 1, 0], [], []>, transpose_lhs_hint = false} : vector<512x32xf32>, vector<2048x32xf32>, vector<512x2048xf32> -> vector<512x2048xf32>
    %mul3A_230 = arith.mulf %get3A_227, %get3A_227 : vector<512x32xf32>
    %reduce_sum3A_231 = arith.constant dense<0.000000e+00> : vector<512xf32>
    %reduce_sum3A_232 = vector.multi_reduction <add>, %mul3A_230, %reduce_sum3A_231 [1] : vector<512x32xf32> to vector<512xf32>
    %broadcast_in_dim3A_233 = vector.shape_cast %reduce_sum3A_232 : vector<512xf32> to vector<512x1xf32>
    %add3A_234 = vector.broadcast %reshape3A : vector<1x2048xf32> to vector<512x2048xf32>
    %add3A_235 = vector.broadcast %broadcast_in_dim3A_233 : vector<512x1xf32> to vector<512x2048xf32>
    %add3A_236 = arith.addf %add3A_234, %add3A_235 : vector<512x2048xf32>
    %sub3A_237 = arith.subf %add3A_236, %dot_general3A_229 : vector<512x2048xf32>
    %bitcast_convert_type3A_238 = tpu.bitcast %sub3A_237 : vector<512x2048xf32> -> vector<512x2048xi32>
    %sub3A_239 = vector.broadcast %bitcast_convert_type3A : vector<1x2048xi32> to vector<512x2048xi32>
    %sub3A_240 = arith.subi %bitcast_convert_type3A_238, %sub3A_239 : vector<512x2048xi32>
    %convert_element_type3A_241 = arith.sitofp %sub3A_240 : vector<512x2048xi32> to vector<512x2048xf32>
    %mul3A_242 = arith.constant 5.120000e+02 : f32
    %mul3A_243 = vector.broadcast %mul3A_242 : f32 to vector<512x2048xf32>
    %mul3A_244 = arith.mulf %convert_element_type3A_241, %mul3A_243 : vector<512x2048xf32>
    %add3A_245 = arith.addf %mul3A_244, %convert_element_type3A_10 : vector<512x2048xf32>
    %reduce_min3A_246 = arith.constant dense<0x7F800000> : vector<2048xf32>
    %reduce_min3A_247 = vector.multi_reduction <minimumf>, %add3A_245, %reduce_min3A_246 [0] : vector<512x2048xf32> to vector<2048xf32>
    %convert_element_type3A_248 = arith.fptosi %reduce_min3A_247 : vector<2048xf32> to vector<2048xi32>
    %and3A_249 = arith.constant 511 : i32
    %and3A_250 = vector.broadcast %and3A_249 : i32 to vector<2048xi32>
    %and3A_251 = arith.andi %convert_element_type3A_248, %and3A_250 : vector<2048xi32>
    %add3A_252 = arith.constant 3072 : i32
    %add3A_253 = vector.broadcast %add3A_252 : i32 to vector<2048xi32>
    %add3A_254 = arith.addi %and3A_251, %add3A_253 : vector<2048xi32>
    %shift_right_arithmetic3A_255 = arith.constant 9 : i32
    %shift_right_arithmetic3A_256 = vector.broadcast %shift_right_arithmetic3A_255 : i32 to vector<2048xi32>
    %shift_right_arithmetic3A_257 = arith.shrsi %convert_element_type3A_248, %shift_right_arithmetic3A_256 : vector<2048xi32>
    %add3A_258 = arith.addi %shift_right_arithmetic3A_257, %reshape3A_9 : vector<2048xi32>
    %bitcast_convert_type3A_259 = tpu.bitcast %add3A_258 : vector<2048xi32> -> vector<2048xf32>
    %lt3A_260 = arith.cmpf olt, %bitcast_convert_type3A_259, %select_n3A_223 : vector<2048xf32>
    %select_n3A_261 = arith.select %lt3A_260, %bitcast_convert_type3A_259, %select_n3A_223 : vector<2048xi1>, vector<2048xf32>
    %select_n3A_262 = arith.select %lt3A_260, %add3A_254, %select_n3A_224 : vector<2048xi1>, vector<2048xi32>
    %get3A_263 = arith.constant 3584 : index
    %get3A_264 = arith.constant 0 : index
    %get3A_265 = vector.load %arg3[%get3A_263, %get3A_264] : memref<8192x32xf32, #tpu.memory_space<vmem>>, vector<512x32xf32>
    %dot_general3A_266 = arith.constant dense<0.000000e+00> : vector<512x2048xf32>
    %dot_general3A_267 = tpu.matmul %get3A_265, %mul3A_4, %dot_general3A_266 {dimension_numbers = #tpu.dot_dimension_numbers<[1], [1], [0], [0], [0, 0, 1, 0], [], []>, transpose_lhs_hint = false} : vector<512x32xf32>, vector<2048x32xf32>, vector<512x2048xf32> -> vector<512x2048xf32>
    %mul3A_268 = arith.mulf %get3A_265, %get3A_265 : vector<512x32xf32>
    %reduce_sum3A_269 = arith.constant dense<0.000000e+00> : vector<512xf32>
    %reduce_sum3A_270 = vector.multi_reduction <add>, %mul3A_268, %reduce_sum3A_269 [1] : vector<512x32xf32> to vector<512xf32>
    %broadcast_in_dim3A_271 = vector.shape_cast %reduce_sum3A_270 : vector<512xf32> to vector<512x1xf32>
    %add3A_272 = vector.broadcast %reshape3A : vector<1x2048xf32> to vector<512x2048xf32>
    %add3A_273 = vector.broadcast %broadcast_in_dim3A_271 : vector<512x1xf32> to vector<512x2048xf32>
    %add3A_274 = arith.addf %add3A_272, %add3A_273 : vector<512x2048xf32>
    %sub3A_275 = arith.subf %add3A_274, %dot_general3A_267 : vector<512x2048xf32>
    %bitcast_convert_type3A_276 = tpu.bitcast %sub3A_275 : vector<512x2048xf32> -> vector<512x2048xi32>
    %sub3A_277 = vector.broadcast %bitcast_convert_type3A : vector<1x2048xi32> to vector<512x2048xi32>
    %sub3A_278 = arith.subi %bitcast_convert_type3A_276, %sub3A_277 : vector<512x2048xi32>
    %convert_element_type3A_279 = arith.sitofp %sub3A_278 : vector<512x2048xi32> to vector<512x2048xf32>
    %mul3A_280 = arith.constant 5.120000e+02 : f32
    %mul3A_281 = vector.broadcast %mul3A_280 : f32 to vector<512x2048xf32>
    %mul3A_282 = arith.mulf %convert_element_type3A_279, %mul3A_281 : vector<512x2048xf32>
    %add3A_283 = arith.addf %mul3A_282, %convert_element_type3A_10 : vector<512x2048xf32>
    %reduce_min3A_284 = arith.constant dense<0x7F800000> : vector<2048xf32>
    %reduce_min3A_285 = vector.multi_reduction <minimumf>, %add3A_283, %reduce_min3A_284 [0] : vector<512x2048xf32> to vector<2048xf32>
    %convert_element_type3A_286 = arith.fptosi %reduce_min3A_285 : vector<2048xf32> to vector<2048xi32>
    %and3A_287 = arith.constant 511 : i32
    %and3A_288 = vector.broadcast %and3A_287 : i32 to vector<2048xi32>
    %and3A_289 = arith.andi %convert_element_type3A_286, %and3A_288 : vector<2048xi32>
    %add3A_290 = arith.constant 3584 : i32
    %add3A_291 = vector.broadcast %add3A_290 : i32 to vector<2048xi32>
    %add3A_292 = arith.addi %and3A_289, %add3A_291 : vector<2048xi32>
    %shift_right_arithmetic3A_293 = arith.constant 9 : i32
    %shift_right_arithmetic3A_294 = vector.broadcast %shift_right_arithmetic3A_293 : i32 to vector<2048xi32>
    %shift_right_arithmetic3A_295 = arith.shrsi %convert_element_type3A_286, %shift_right_arithmetic3A_294 : vector<2048xi32>
    %add3A_296 = arith.addi %shift_right_arithmetic3A_295, %reshape3A_9 : vector<2048xi32>
    %bitcast_convert_type3A_297 = tpu.bitcast %add3A_296 : vector<2048xi32> -> vector<2048xf32>
    %lt3A_298 = arith.cmpf olt, %bitcast_convert_type3A_297, %select_n3A_261 : vector<2048xf32>
    %select_n3A_299 = arith.select %lt3A_298, %bitcast_convert_type3A_297, %select_n3A_261 : vector<2048xi1>, vector<2048xf32>
    %select_n3A_300 = arith.select %lt3A_298, %add3A_292, %select_n3A_262 : vector<2048xi1>, vector<2048xi32>
    %lt3A_301 = arith.cmpf olt, %select_n3A_299, %convert_element_type3A_151 : vector<2048xf32>
    %select_n3A_302 = arith.select %lt3A_301, %select_n3A_299, %select_n3A_148 : vector<2048xi1>, vector<2048xf32>
    %select_n3A_303 = arith.select %lt3A_301, %select_n3A_300, %select_n3A_149 : vector<2048xi1>, vector<2048xi32>
    %select_n3A_304 = arith.select %lt3A_301, %select_n3A_299, %convert_element_type3A_151 : vector<2048xi1>, vector<2048xf32>
    %convert_element_type3A_305 = arith.truncf %select_n3A_304 : vector<2048xf32> to vector<2048xbf16>
    %convert_element_type3A_306 = arith.extf %convert_element_type3A_305 : vector<2048xbf16> to vector<2048xf32>
    %get3A_307 = arith.constant 4096 : index
    %get3A_308 = arith.constant 0 : index
    %get3A_309 = vector.load %arg3[%get3A_307, %get3A_308] : memref<8192x32xf32, #tpu.memory_space<vmem>>, vector<512x32xf32>
    %dot_general3A_310 = arith.constant dense<0.000000e+00> : vector<512x2048xf32>
    %dot_general3A_311 = tpu.matmul %get3A_309, %mul3A_4, %dot_general3A_310 {dimension_numbers = #tpu.dot_dimension_numbers<[1], [1], [0], [0], [0, 0, 1, 0], [], []>, transpose_lhs_hint = false} : vector<512x32xf32>, vector<2048x32xf32>, vector<512x2048xf32> -> vector<512x2048xf32>
    %mul3A_312 = arith.mulf %get3A_309, %get3A_309 : vector<512x32xf32>
    %reduce_sum3A_313 = arith.constant dense<0.000000e+00> : vector<512xf32>
    %reduce_sum3A_314 = vector.multi_reduction <add>, %mul3A_312, %reduce_sum3A_313 [1] : vector<512x32xf32> to vector<512xf32>
    %broadcast_in_dim3A_315 = vector.shape_cast %reduce_sum3A_314 : vector<512xf32> to vector<512x1xf32>
    %add3A_316 = vector.broadcast %reshape3A : vector<1x2048xf32> to vector<512x2048xf32>
    %add3A_317 = vector.broadcast %broadcast_in_dim3A_315 : vector<512x1xf32> to vector<512x2048xf32>
    %add3A_318 = arith.addf %add3A_316, %add3A_317 : vector<512x2048xf32>
    %sub3A_319 = arith.subf %add3A_318, %dot_general3A_311 : vector<512x2048xf32>
    %bitcast_convert_type3A_320 = tpu.bitcast %sub3A_319 : vector<512x2048xf32> -> vector<512x2048xi32>
    %sub3A_321 = vector.broadcast %bitcast_convert_type3A : vector<1x2048xi32> to vector<512x2048xi32>
    %sub3A_322 = arith.subi %bitcast_convert_type3A_320, %sub3A_321 : vector<512x2048xi32>
    %convert_element_type3A_323 = arith.sitofp %sub3A_322 : vector<512x2048xi32> to vector<512x2048xf32>
    %mul3A_324 = arith.constant 5.120000e+02 : f32
    %mul3A_325 = vector.broadcast %mul3A_324 : f32 to vector<512x2048xf32>
    %mul3A_326 = arith.mulf %convert_element_type3A_323, %mul3A_325 : vector<512x2048xf32>
    %add3A_327 = arith.addf %mul3A_326, %convert_element_type3A_10 : vector<512x2048xf32>
    %reduce_min3A_328 = arith.constant dense<0x7F800000> : vector<2048xf32>
    %reduce_min3A_329 = vector.multi_reduction <minimumf>, %add3A_327, %reduce_min3A_328 [0] : vector<512x2048xf32> to vector<2048xf32>
    %convert_element_type3A_330 = arith.fptosi %reduce_min3A_329 : vector<2048xf32> to vector<2048xi32>
    %and3A_331 = arith.constant 511 : i32
    %and3A_332 = vector.broadcast %and3A_331 : i32 to vector<2048xi32>
    %and3A_333 = arith.andi %convert_element_type3A_330, %and3A_332 : vector<2048xi32>
    %add3A_334 = arith.constant 4096 : i32
    %add3A_335 = vector.broadcast %add3A_334 : i32 to vector<2048xi32>
    %add3A_336 = arith.addi %and3A_333, %add3A_335 : vector<2048xi32>
    %shift_right_arithmetic3A_337 = arith.constant 9 : i32
    %shift_right_arithmetic3A_338 = vector.broadcast %shift_right_arithmetic3A_337 : i32 to vector<2048xi32>
    %shift_right_arithmetic3A_339 = arith.shrsi %convert_element_type3A_330, %shift_right_arithmetic3A_338 : vector<2048xi32>
    %add3A_340 = arith.addi %shift_right_arithmetic3A_339, %reshape3A_9 : vector<2048xi32>
    %bitcast_convert_type3A_341 = tpu.bitcast %add3A_340 : vector<2048xi32> -> vector<2048xf32>
    %get3A_342 = arith.constant 4608 : index
    %get3A_343 = arith.constant 0 : index
    %get3A_344 = vector.load %arg3[%get3A_342, %get3A_343] : memref<8192x32xf32, #tpu.memory_space<vmem>>, vector<512x32xf32>
    %dot_general3A_345 = arith.constant dense<0.000000e+00> : vector<512x2048xf32>
    %dot_general3A_346 = tpu.matmul %get3A_344, %mul3A_4, %dot_general3A_345 {dimension_numbers = #tpu.dot_dimension_numbers<[1], [1], [0], [0], [0, 0, 1, 0], [], []>, transpose_lhs_hint = false} : vector<512x32xf32>, vector<2048x32xf32>, vector<512x2048xf32> -> vector<512x2048xf32>
    %mul3A_347 = arith.mulf %get3A_344, %get3A_344 : vector<512x32xf32>
    %reduce_sum3A_348 = arith.constant dense<0.000000e+00> : vector<512xf32>
    %reduce_sum3A_349 = vector.multi_reduction <add>, %mul3A_347, %reduce_sum3A_348 [1] : vector<512x32xf32> to vector<512xf32>
    %broadcast_in_dim3A_350 = vector.shape_cast %reduce_sum3A_349 : vector<512xf32> to vector<512x1xf32>
    %add3A_351 = vector.broadcast %reshape3A : vector<1x2048xf32> to vector<512x2048xf32>
    %add3A_352 = vector.broadcast %broadcast_in_dim3A_350 : vector<512x1xf32> to vector<512x2048xf32>
    %add3A_353 = arith.addf %add3A_351, %add3A_352 : vector<512x2048xf32>
    %sub3A_354 = arith.subf %add3A_353, %dot_general3A_346 : vector<512x2048xf32>
    %bitcast_convert_type3A_355 = tpu.bitcast %sub3A_354 : vector<512x2048xf32> -> vector<512x2048xi32>
    %sub3A_356 = vector.broadcast %bitcast_convert_type3A : vector<1x2048xi32> to vector<512x2048xi32>
    %sub3A_357 = arith.subi %bitcast_convert_type3A_355, %sub3A_356 : vector<512x2048xi32>
    %convert_element_type3A_358 = arith.sitofp %sub3A_357 : vector<512x2048xi32> to vector<512x2048xf32>
    %mul3A_359 = arith.constant 5.120000e+02 : f32
    %mul3A_360 = vector.broadcast %mul3A_359 : f32 to vector<512x2048xf32>
    %mul3A_361 = arith.mulf %convert_element_type3A_358, %mul3A_360 : vector<512x2048xf32>
    %add3A_362 = arith.addf %mul3A_361, %convert_element_type3A_10 : vector<512x2048xf32>
    %reduce_min3A_363 = arith.constant dense<0x7F800000> : vector<2048xf32>
    %reduce_min3A_364 = vector.multi_reduction <minimumf>, %add3A_362, %reduce_min3A_363 [0] : vector<512x2048xf32> to vector<2048xf32>
    %convert_element_type3A_365 = arith.fptosi %reduce_min3A_364 : vector<2048xf32> to vector<2048xi32>
    %and3A_366 = arith.constant 511 : i32
    %and3A_367 = vector.broadcast %and3A_366 : i32 to vector<2048xi32>
    %and3A_368 = arith.andi %convert_element_type3A_365, %and3A_367 : vector<2048xi32>
    %add3A_369 = arith.constant 4608 : i32
    %add3A_370 = vector.broadcast %add3A_369 : i32 to vector<2048xi32>
    %add3A_371 = arith.addi %and3A_368, %add3A_370 : vector<2048xi32>
    %shift_right_arithmetic3A_372 = arith.constant 9 : i32
    %shift_right_arithmetic3A_373 = vector.broadcast %shift_right_arithmetic3A_372 : i32 to vector<2048xi32>
    %shift_right_arithmetic3A_374 = arith.shrsi %convert_element_type3A_365, %shift_right_arithmetic3A_373 : vector<2048xi32>
    %add3A_375 = arith.addi %shift_right_arithmetic3A_374, %reshape3A_9 : vector<2048xi32>
    %bitcast_convert_type3A_376 = tpu.bitcast %add3A_375 : vector<2048xi32> -> vector<2048xf32>
    %lt3A_377 = arith.cmpf olt, %bitcast_convert_type3A_376, %bitcast_convert_type3A_341 : vector<2048xf32>
    %select_n3A_378 = arith.select %lt3A_377, %bitcast_convert_type3A_376, %bitcast_convert_type3A_341 : vector<2048xi1>, vector<2048xf32>
    %select_n3A_379 = arith.select %lt3A_377, %add3A_371, %add3A_336 : vector<2048xi1>, vector<2048xi32>
    %get3A_380 = arith.constant 5120 : index
    %get3A_381 = arith.constant 0 : index
    %get3A_382 = vector.load %arg3[%get3A_380, %get3A_381] : memref<8192x32xf32, #tpu.memory_space<vmem>>, vector<512x32xf32>
    %dot_general3A_383 = arith.constant dense<0.000000e+00> : vector<512x2048xf32>
    %dot_general3A_384 = tpu.matmul %get3A_382, %mul3A_4, %dot_general3A_383 {dimension_numbers = #tpu.dot_dimension_numbers<[1], [1], [0], [0], [0, 0, 1, 0], [], []>, transpose_lhs_hint = false} : vector<512x32xf32>, vector<2048x32xf32>, vector<512x2048xf32> -> vector<512x2048xf32>
    %mul3A_385 = arith.mulf %get3A_382, %get3A_382 : vector<512x32xf32>
    %reduce_sum3A_386 = arith.constant dense<0.000000e+00> : vector<512xf32>
    %reduce_sum3A_387 = vector.multi_reduction <add>, %mul3A_385, %reduce_sum3A_386 [1] : vector<512x32xf32> to vector<512xf32>
    %broadcast_in_dim3A_388 = vector.shape_cast %reduce_sum3A_387 : vector<512xf32> to vector<512x1xf32>
    %add3A_389 = vector.broadcast %reshape3A : vector<1x2048xf32> to vector<512x2048xf32>
    %add3A_390 = vector.broadcast %broadcast_in_dim3A_388 : vector<512x1xf32> to vector<512x2048xf32>
    %add3A_391 = arith.addf %add3A_389, %add3A_390 : vector<512x2048xf32>
    %sub3A_392 = arith.subf %add3A_391, %dot_general3A_384 : vector<512x2048xf32>
    %bitcast_convert_type3A_393 = tpu.bitcast %sub3A_392 : vector<512x2048xf32> -> vector<512x2048xi32>
    %sub3A_394 = vector.broadcast %bitcast_convert_type3A : vector<1x2048xi32> to vector<512x2048xi32>
    %sub3A_395 = arith.subi %bitcast_convert_type3A_393, %sub3A_394 : vector<512x2048xi32>
    %convert_element_type3A_396 = arith.sitofp %sub3A_395 : vector<512x2048xi32> to vector<512x2048xf32>
    %mul3A_397 = arith.constant 5.120000e+02 : f32
    %mul3A_398 = vector.broadcast %mul3A_397 : f32 to vector<512x2048xf32>
    %mul3A_399 = arith.mulf %convert_element_type3A_396, %mul3A_398 : vector<512x2048xf32>
    %add3A_400 = arith.addf %mul3A_399, %convert_element_type3A_10 : vector<512x2048xf32>
    %reduce_min3A_401 = arith.constant dense<0x7F800000> : vector<2048xf32>
    %reduce_min3A_402 = vector.multi_reduction <minimumf>, %add3A_400, %reduce_min3A_401 [0] : vector<512x2048xf32> to vector<2048xf32>
    %convert_element_type3A_403 = arith.fptosi %reduce_min3A_402 : vector<2048xf32> to vector<2048xi32>
    %and3A_404 = arith.constant 511 : i32
    %and3A_405 = vector.broadcast %and3A_404 : i32 to vector<2048xi32>
    %and3A_406 = arith.andi %convert_element_type3A_403, %and3A_405 : vector<2048xi32>
    %add3A_407 = arith.constant 5120 : i32
    %add3A_408 = vector.broadcast %add3A_407 : i32 to vector<2048xi32>
    %add3A_409 = arith.addi %and3A_406, %add3A_408 : vector<2048xi32>
    %shift_right_arithmetic3A_410 = arith.constant 9 : i32
    %shift_right_arithmetic3A_411 = vector.broadcast %shift_right_arithmetic3A_410 : i32 to vector<2048xi32>
    %shift_right_arithmetic3A_412 = arith.shrsi %convert_element_type3A_403, %shift_right_arithmetic3A_411 : vector<2048xi32>
    %add3A_413 = arith.addi %shift_right_arithmetic3A_412, %reshape3A_9 : vector<2048xi32>
    %bitcast_convert_type3A_414 = tpu.bitcast %add3A_413 : vector<2048xi32> -> vector<2048xf32>
    %lt3A_415 = arith.cmpf olt, %bitcast_convert_type3A_414, %select_n3A_378 : vector<2048xf32>
    %select_n3A_416 = arith.select %lt3A_415, %bitcast_convert_type3A_414, %select_n3A_378 : vector<2048xi1>, vector<2048xf32>
    %select_n3A_417 = arith.select %lt3A_415, %add3A_409, %select_n3A_379 : vector<2048xi1>, vector<2048xi32>
    %get3A_418 = arith.constant 5632 : index
    %get3A_419 = arith.constant 0 : index
    %get3A_420 = vector.load %arg3[%get3A_418, %get3A_419] : memref<8192x32xf32, #tpu.memory_space<vmem>>, vector<512x32xf32>
    %dot_general3A_421 = arith.constant dense<0.000000e+00> : vector<512x2048xf32>
    %dot_general3A_422 = tpu.matmul %get3A_420, %mul3A_4, %dot_general3A_421 {dimension_numbers = #tpu.dot_dimension_numbers<[1], [1], [0], [0], [0, 0, 1, 0], [], []>, transpose_lhs_hint = false} : vector<512x32xf32>, vector<2048x32xf32>, vector<512x2048xf32> -> vector<512x2048xf32>
    %mul3A_423 = arith.mulf %get3A_420, %get3A_420 : vector<512x32xf32>
    %reduce_sum3A_424 = arith.constant dense<0.000000e+00> : vector<512xf32>
    %reduce_sum3A_425 = vector.multi_reduction <add>, %mul3A_423, %reduce_sum3A_424 [1] : vector<512x32xf32> to vector<512xf32>
    %broadcast_in_dim3A_426 = vector.shape_cast %reduce_sum3A_425 : vector<512xf32> to vector<512x1xf32>
    %add3A_427 = vector.broadcast %reshape3A : vector<1x2048xf32> to vector<512x2048xf32>
    %add3A_428 = vector.broadcast %broadcast_in_dim3A_426 : vector<512x1xf32> to vector<512x2048xf32>
    %add3A_429 = arith.addf %add3A_427, %add3A_428 : vector<512x2048xf32>
    %sub3A_430 = arith.subf %add3A_429, %dot_general3A_422 : vector<512x2048xf32>
    %bitcast_convert_type3A_431 = tpu.bitcast %sub3A_430 : vector<512x2048xf32> -> vector<512x2048xi32>
    %sub3A_432 = vector.broadcast %bitcast_convert_type3A : vector<1x2048xi32> to vector<512x2048xi32>
    %sub3A_433 = arith.subi %bitcast_convert_type3A_431, %sub3A_432 : vector<512x2048xi32>
    %convert_element_type3A_434 = arith.sitofp %sub3A_433 : vector<512x2048xi32> to vector<512x2048xf32>
    %mul3A_435 = arith.constant 5.120000e+02 : f32
    %mul3A_436 = vector.broadcast %mul3A_435 : f32 to vector<512x2048xf32>
    %mul3A_437 = arith.mulf %convert_element_type3A_434, %mul3A_436 : vector<512x2048xf32>
    %add3A_438 = arith.addf %mul3A_437, %convert_element_type3A_10 : vector<512x2048xf32>
    %reduce_min3A_439 = arith.constant dense<0x7F800000> : vector<2048xf32>
    %reduce_min3A_440 = vector.multi_reduction <minimumf>, %add3A_438, %reduce_min3A_439 [0] : vector<512x2048xf32> to vector<2048xf32>
    %convert_element_type3A_441 = arith.fptosi %reduce_min3A_440 : vector<2048xf32> to vector<2048xi32>
    %and3A_442 = arith.constant 511 : i32
    %and3A_443 = vector.broadcast %and3A_442 : i32 to vector<2048xi32>
    %and3A_444 = arith.andi %convert_element_type3A_441, %and3A_443 : vector<2048xi32>
    %add3A_445 = arith.constant 5632 : i32
    %add3A_446 = vector.broadcast %add3A_445 : i32 to vector<2048xi32>
    %add3A_447 = arith.addi %and3A_444, %add3A_446 : vector<2048xi32>
    %shift_right_arithmetic3A_448 = arith.constant 9 : i32
    %shift_right_arithmetic3A_449 = vector.broadcast %shift_right_arithmetic3A_448 : i32 to vector<2048xi32>
    %shift_right_arithmetic3A_450 = arith.shrsi %convert_element_type3A_441, %shift_right_arithmetic3A_449 : vector<2048xi32>
    %add3A_451 = arith.addi %shift_right_arithmetic3A_450, %reshape3A_9 : vector<2048xi32>
    %bitcast_convert_type3A_452 = tpu.bitcast %add3A_451 : vector<2048xi32> -> vector<2048xf32>
    %lt3A_453 = arith.cmpf olt, %bitcast_convert_type3A_452, %select_n3A_416 : vector<2048xf32>
    %select_n3A_454 = arith.select %lt3A_453, %bitcast_convert_type3A_452, %select_n3A_416 : vector<2048xi1>, vector<2048xf32>
    %select_n3A_455 = arith.select %lt3A_453, %add3A_447, %select_n3A_417 : vector<2048xi1>, vector<2048xi32>
    %lt3A_456 = arith.cmpf olt, %select_n3A_454, %convert_element_type3A_306 : vector<2048xf32>
    %select_n3A_457 = arith.select %lt3A_456, %select_n3A_454, %select_n3A_302 : vector<2048xi1>, vector<2048xf32>
    %select_n3A_458 = arith.select %lt3A_456, %select_n3A_455, %select_n3A_303 : vector<2048xi1>, vector<2048xi32>
    %select_n3A_459 = arith.select %lt3A_456, %select_n3A_454, %convert_element_type3A_306 : vector<2048xi1>, vector<2048xf32>
    %convert_element_type3A_460 = arith.truncf %select_n3A_459 : vector<2048xf32> to vector<2048xbf16>
    %convert_element_type3A_461 = arith.extf %convert_element_type3A_460 : vector<2048xbf16> to vector<2048xf32>
    %get3A_462 = arith.constant 6144 : index
    %get3A_463 = arith.constant 0 : index
    %get3A_464 = vector.load %arg3[%get3A_462, %get3A_463] : memref<8192x32xf32, #tpu.memory_space<vmem>>, vector<512x32xf32>
    %dot_general3A_465 = arith.constant dense<0.000000e+00> : vector<512x2048xf32>
    %dot_general3A_466 = tpu.matmul %get3A_464, %mul3A_4, %dot_general3A_465 {dimension_numbers = #tpu.dot_dimension_numbers<[1], [1], [0], [0], [0, 0, 1, 0], [], []>, transpose_lhs_hint = false} : vector<512x32xf32>, vector<2048x32xf32>, vector<512x2048xf32> -> vector<512x2048xf32>
    %mul3A_467 = arith.mulf %get3A_464, %get3A_464 : vector<512x32xf32>
    %reduce_sum3A_468 = arith.constant dense<0.000000e+00> : vector<512xf32>
    %reduce_sum3A_469 = vector.multi_reduction <add>, %mul3A_467, %reduce_sum3A_468 [1] : vector<512x32xf32> to vector<512xf32>
    %broadcast_in_dim3A_470 = vector.shape_cast %reduce_sum3A_469 : vector<512xf32> to vector<512x1xf32>
    %add3A_471 = vector.broadcast %reshape3A : vector<1x2048xf32> to vector<512x2048xf32>
    %add3A_472 = vector.broadcast %broadcast_in_dim3A_470 : vector<512x1xf32> to vector<512x2048xf32>
    %add3A_473 = arith.addf %add3A_471, %add3A_472 : vector<512x2048xf32>
    %sub3A_474 = arith.subf %add3A_473, %dot_general3A_466 : vector<512x2048xf32>
    %bitcast_convert_type3A_475 = tpu.bitcast %sub3A_474 : vector<512x2048xf32> -> vector<512x2048xi32>
    %sub3A_476 = vector.broadcast %bitcast_convert_type3A : vector<1x2048xi32> to vector<512x2048xi32>
    %sub3A_477 = arith.subi %bitcast_convert_type3A_475, %sub3A_476 : vector<512x2048xi32>
    %convert_element_type3A_478 = arith.sitofp %sub3A_477 : vector<512x2048xi32> to vector<512x2048xf32>
    %mul3A_479 = arith.constant 5.120000e+02 : f32
    %mul3A_480 = vector.broadcast %mul3A_479 : f32 to vector<512x2048xf32>
    %mul3A_481 = arith.mulf %convert_element_type3A_478, %mul3A_480 : vector<512x2048xf32>
    %add3A_482 = arith.addf %mul3A_481, %convert_element_type3A_10 : vector<512x2048xf32>
    %reduce_min3A_483 = arith.constant dense<0x7F800000> : vector<2048xf32>
    %reduce_min3A_484 = vector.multi_reduction <minimumf>, %add3A_482, %reduce_min3A_483 [0] : vector<512x2048xf32> to vector<2048xf32>
    %convert_element_type3A_485 = arith.fptosi %reduce_min3A_484 : vector<2048xf32> to vector<2048xi32>
    %and3A_486 = arith.constant 511 : i32
    %and3A_487 = vector.broadcast %and3A_486 : i32 to vector<2048xi32>
    %and3A_488 = arith.andi %convert_element_type3A_485, %and3A_487 : vector<2048xi32>
    %add3A_489 = arith.constant 6144 : i32
    %add3A_490 = vector.broadcast %add3A_489 : i32 to vector<2048xi32>
    %add3A_491 = arith.addi %and3A_488, %add3A_490 : vector<2048xi32>
    %shift_right_arithmetic3A_492 = arith.constant 9 : i32
    %shift_right_arithmetic3A_493 = vector.broadcast %shift_right_arithmetic3A_492 : i32 to vector<2048xi32>
    %shift_right_arithmetic3A_494 = arith.shrsi %convert_element_type3A_485, %shift_right_arithmetic3A_493 : vector<2048xi32>
    %add3A_495 = arith.addi %shift_right_arithmetic3A_494, %reshape3A_9 : vector<2048xi32>
    %bitcast_convert_type3A_496 = tpu.bitcast %add3A_495 : vector<2048xi32> -> vector<2048xf32>
    %get3A_497 = arith.constant 6656 : index
    %get3A_498 = arith.constant 0 : index
    %get3A_499 = vector.load %arg3[%get3A_497, %get3A_498] : memref<8192x32xf32, #tpu.memory_space<vmem>>, vector<512x32xf32>
    %dot_general3A_500 = arith.constant dense<0.000000e+00> : vector<512x2048xf32>
    %dot_general3A_501 = tpu.matmul %get3A_499, %mul3A_4, %dot_general3A_500 {dimension_numbers = #tpu.dot_dimension_numbers<[1], [1], [0], [0], [0, 0, 1, 0], [], []>, transpose_lhs_hint = false} : vector<512x32xf32>, vector<2048x32xf32>, vector<512x2048xf32> -> vector<512x2048xf32>
    %mul3A_502 = arith.mulf %get3A_499, %get3A_499 : vector<512x32xf32>
    %reduce_sum3A_503 = arith.constant dense<0.000000e+00> : vector<512xf32>
    %reduce_sum3A_504 = vector.multi_reduction <add>, %mul3A_502, %reduce_sum3A_503 [1] : vector<512x32xf32> to vector<512xf32>
    %broadcast_in_dim3A_505 = vector.shape_cast %reduce_sum3A_504 : vector<512xf32> to vector<512x1xf32>
    %add3A_506 = vector.broadcast %reshape3A : vector<1x2048xf32> to vector<512x2048xf32>
    %add3A_507 = vector.broadcast %broadcast_in_dim3A_505 : vector<512x1xf32> to vector<512x2048xf32>
    %add3A_508 = arith.addf %add3A_506, %add3A_507 : vector<512x2048xf32>
    %sub3A_509 = arith.subf %add3A_508, %dot_general3A_501 : vector<512x2048xf32>
    %bitcast_convert_type3A_510 = tpu.bitcast %sub3A_509 : vector<512x2048xf32> -> vector<512x2048xi32>
    %sub3A_511 = vector.broadcast %bitcast_convert_type3A : vector<1x2048xi32> to vector<512x2048xi32>
    %sub3A_512 = arith.subi %bitcast_convert_type3A_510, %sub3A_511 : vector<512x2048xi32>
    %convert_element_type3A_513 = arith.sitofp %sub3A_512 : vector<512x2048xi32> to vector<512x2048xf32>
    %mul3A_514 = arith.constant 5.120000e+02 : f32
    %mul3A_515 = vector.broadcast %mul3A_514 : f32 to vector<512x2048xf32>
    %mul3A_516 = arith.mulf %convert_element_type3A_513, %mul3A_515 : vector<512x2048xf32>
    %add3A_517 = arith.addf %mul3A_516, %convert_element_type3A_10 : vector<512x2048xf32>
    %reduce_min3A_518 = arith.constant dense<0x7F800000> : vector<2048xf32>
    %reduce_min3A_519 = vector.multi_reduction <minimumf>, %add3A_517, %reduce_min3A_518 [0] : vector<512x2048xf32> to vector<2048xf32>
    %convert_element_type3A_520 = arith.fptosi %reduce_min3A_519 : vector<2048xf32> to vector<2048xi32>
    %and3A_521 = arith.constant 511 : i32
    %and3A_522 = vector.broadcast %and3A_521 : i32 to vector<2048xi32>
    %and3A_523 = arith.andi %convert_element_type3A_520, %and3A_522 : vector<2048xi32>
    %add3A_524 = arith.constant 6656 : i32
    %add3A_525 = vector.broadcast %add3A_524 : i32 to vector<2048xi32>
    %add3A_526 = arith.addi %and3A_523, %add3A_525 : vector<2048xi32>
    %shift_right_arithmetic3A_527 = arith.constant 9 : i32
    %shift_right_arithmetic3A_528 = vector.broadcast %shift_right_arithmetic3A_527 : i32 to vector<2048xi32>
    %shift_right_arithmetic3A_529 = arith.shrsi %convert_element_type3A_520, %shift_right_arithmetic3A_528 : vector<2048xi32>
    %add3A_530 = arith.addi %shift_right_arithmetic3A_529, %reshape3A_9 : vector<2048xi32>
    %bitcast_convert_type3A_531 = tpu.bitcast %add3A_530 : vector<2048xi32> -> vector<2048xf32>
    %lt3A_532 = arith.cmpf olt, %bitcast_convert_type3A_531, %bitcast_convert_type3A_496 : vector<2048xf32>
    %select_n3A_533 = arith.select %lt3A_532, %bitcast_convert_type3A_531, %bitcast_convert_type3A_496 : vector<2048xi1>, vector<2048xf32>
    %select_n3A_534 = arith.select %lt3A_532, %add3A_526, %add3A_491 : vector<2048xi1>, vector<2048xi32>
    %get3A_535 = arith.constant 7168 : index
    %get3A_536 = arith.constant 0 : index
    %get3A_537 = vector.load %arg3[%get3A_535, %get3A_536] : memref<8192x32xf32, #tpu.memory_space<vmem>>, vector<512x32xf32>
    %dot_general3A_538 = arith.constant dense<0.000000e+00> : vector<512x2048xf32>
    %dot_general3A_539 = tpu.matmul %get3A_537, %mul3A_4, %dot_general3A_538 {dimension_numbers = #tpu.dot_dimension_numbers<[1], [1], [0], [0], [0, 0, 1, 0], [], []>, transpose_lhs_hint = false} : vector<512x32xf32>, vector<2048x32xf32>, vector<512x2048xf32> -> vector<512x2048xf32>
    %mul3A_540 = arith.mulf %get3A_537, %get3A_537 : vector<512x32xf32>
    %reduce_sum3A_541 = arith.constant dense<0.000000e+00> : vector<512xf32>
    %reduce_sum3A_542 = vector.multi_reduction <add>, %mul3A_540, %reduce_sum3A_541 [1] : vector<512x32xf32> to vector<512xf32>
    %broadcast_in_dim3A_543 = vector.shape_cast %reduce_sum3A_542 : vector<512xf32> to vector<512x1xf32>
    %add3A_544 = vector.broadcast %reshape3A : vector<1x2048xf32> to vector<512x2048xf32>
    %add3A_545 = vector.broadcast %broadcast_in_dim3A_543 : vector<512x1xf32> to vector<512x2048xf32>
    %add3A_546 = arith.addf %add3A_544, %add3A_545 : vector<512x2048xf32>
    %sub3A_547 = arith.subf %add3A_546, %dot_general3A_539 : vector<512x2048xf32>
    %bitcast_convert_type3A_548 = tpu.bitcast %sub3A_547 : vector<512x2048xf32> -> vector<512x2048xi32>
    %sub3A_549 = vector.broadcast %bitcast_convert_type3A : vector<1x2048xi32> to vector<512x2048xi32>
    %sub3A_550 = arith.subi %bitcast_convert_type3A_548, %sub3A_549 : vector<512x2048xi32>
    %convert_element_type3A_551 = arith.sitofp %sub3A_550 : vector<512x2048xi32> to vector<512x2048xf32>
    %mul3A_552 = arith.constant 5.120000e+02 : f32
    %mul3A_553 = vector.broadcast %mul3A_552 : f32 to vector<512x2048xf32>
    %mul3A_554 = arith.mulf %convert_element_type3A_551, %mul3A_553 : vector<512x2048xf32>
    %add3A_555 = arith.addf %mul3A_554, %convert_element_type3A_10 : vector<512x2048xf32>
    %reduce_min3A_556 = arith.constant dense<0x7F800000> : vector<2048xf32>
    %reduce_min3A_557 = vector.multi_reduction <minimumf>, %add3A_555, %reduce_min3A_556 [0] : vector<512x2048xf32> to vector<2048xf32>
    %convert_element_type3A_558 = arith.fptosi %reduce_min3A_557 : vector<2048xf32> to vector<2048xi32>
    %and3A_559 = arith.constant 511 : i32
    %and3A_560 = vector.broadcast %and3A_559 : i32 to vector<2048xi32>
    %and3A_561 = arith.andi %convert_element_type3A_558, %and3A_560 : vector<2048xi32>
    %add3A_562 = arith.constant 7168 : i32
    %add3A_563 = vector.broadcast %add3A_562 : i32 to vector<2048xi32>
    %add3A_564 = arith.addi %and3A_561, %add3A_563 : vector<2048xi32>
    %shift_right_arithmetic3A_565 = arith.constant 9 : i32
    %shift_right_arithmetic3A_566 = vector.broadcast %shift_right_arithmetic3A_565 : i32 to vector<2048xi32>
    %shift_right_arithmetic3A_567 = arith.shrsi %convert_element_type3A_558, %shift_right_arithmetic3A_566 : vector<2048xi32>
    %add3A_568 = arith.addi %shift_right_arithmetic3A_567, %reshape3A_9 : vector<2048xi32>
    %bitcast_convert_type3A_569 = tpu.bitcast %add3A_568 : vector<2048xi32> -> vector<2048xf32>
    %lt3A_570 = arith.cmpf olt, %bitcast_convert_type3A_569, %select_n3A_533 : vector<2048xf32>
    %select_n3A_571 = arith.select %lt3A_570, %bitcast_convert_type3A_569, %select_n3A_533 : vector<2048xi1>, vector<2048xf32>
    %select_n3A_572 = arith.select %lt3A_570, %add3A_564, %select_n3A_534 : vector<2048xi1>, vector<2048xi32>
    %get3A_573 = arith.constant 7680 : index
    %get3A_574 = arith.constant 0 : index
    %get3A_575 = vector.load %arg3[%get3A_573, %get3A_574] : memref<8192x32xf32, #tpu.memory_space<vmem>>, vector<512x32xf32>
    %dot_general3A_576 = arith.constant dense<0.000000e+00> : vector<512x2048xf32>
    %dot_general3A_577 = tpu.matmul %get3A_575, %mul3A_4, %dot_general3A_576 {dimension_numbers = #tpu.dot_dimension_numbers<[1], [1], [0], [0], [0, 0, 1, 0], [], []>, transpose_lhs_hint = false} : vector<512x32xf32>, vector<2048x32xf32>, vector<512x2048xf32> -> vector<512x2048xf32>
    %mul3A_578 = arith.mulf %get3A_575, %get3A_575 : vector<512x32xf32>
    %reduce_sum3A_579 = arith.constant dense<0.000000e+00> : vector<512xf32>
    %reduce_sum3A_580 = vector.multi_reduction <add>, %mul3A_578, %reduce_sum3A_579 [1] : vector<512x32xf32> to vector<512xf32>
    %broadcast_in_dim3A_581 = vector.shape_cast %reduce_sum3A_580 : vector<512xf32> to vector<512x1xf32>
    %add3A_582 = vector.broadcast %reshape3A : vector<1x2048xf32> to vector<512x2048xf32>
    %add3A_583 = vector.broadcast %broadcast_in_dim3A_581 : vector<512x1xf32> to vector<512x2048xf32>
    %add3A_584 = arith.addf %add3A_582, %add3A_583 : vector<512x2048xf32>
    %sub3A_585 = arith.subf %add3A_584, %dot_general3A_577 : vector<512x2048xf32>
    %bitcast_convert_type3A_586 = tpu.bitcast %sub3A_585 : vector<512x2048xf32> -> vector<512x2048xi32>
    %sub3A_587 = vector.broadcast %bitcast_convert_type3A : vector<1x2048xi32> to vector<512x2048xi32>
    %sub3A_588 = arith.subi %bitcast_convert_type3A_586, %sub3A_587 : vector<512x2048xi32>
    %convert_element_type3A_589 = arith.sitofp %sub3A_588 : vector<512x2048xi32> to vector<512x2048xf32>
    %mul3A_590 = arith.constant 5.120000e+02 : f32
    %mul3A_591 = vector.broadcast %mul3A_590 : f32 to vector<512x2048xf32>
    %mul3A_592 = arith.mulf %convert_element_type3A_589, %mul3A_591 : vector<512x2048xf32>
    %add3A_593 = arith.addf %mul3A_592, %convert_element_type3A_10 : vector<512x2048xf32>
    %reduce_min3A_594 = arith.constant dense<0x7F800000> : vector<2048xf32>
    %reduce_min3A_595 = vector.multi_reduction <minimumf>, %add3A_593, %reduce_min3A_594 [0] : vector<512x2048xf32> to vector<2048xf32>
    %convert_element_type3A_596 = arith.fptosi %reduce_min3A_595 : vector<2048xf32> to vector<2048xi32>
    %and3A_597 = arith.constant 511 : i32
    %and3A_598 = vector.broadcast %and3A_597 : i32 to vector<2048xi32>
    %and3A_599 = arith.andi %convert_element_type3A_596, %and3A_598 : vector<2048xi32>
    %add3A_600 = arith.constant 7680 : i32
    %add3A_601 = vector.broadcast %add3A_600 : i32 to vector<2048xi32>
    %add3A_602 = arith.addi %and3A_599, %add3A_601 : vector<2048xi32>
    %shift_right_arithmetic3A_603 = arith.constant 9 : i32
    %shift_right_arithmetic3A_604 = vector.broadcast %shift_right_arithmetic3A_603 : i32 to vector<2048xi32>
    %shift_right_arithmetic3A_605 = arith.shrsi %convert_element_type3A_596, %shift_right_arithmetic3A_604 : vector<2048xi32>
    %add3A_606 = arith.addi %shift_right_arithmetic3A_605, %reshape3A_9 : vector<2048xi32>
    %bitcast_convert_type3A_607 = tpu.bitcast %add3A_606 : vector<2048xi32> -> vector<2048xf32>
    %lt3A_608 = arith.cmpf olt, %bitcast_convert_type3A_607, %select_n3A_571 : vector<2048xf32>
    %select_n3A_609 = arith.select %lt3A_608, %bitcast_convert_type3A_607, %select_n3A_571 : vector<2048xi1>, vector<2048xf32>
    %select_n3A_610 = arith.select %lt3A_608, %add3A_602, %select_n3A_572 : vector<2048xi1>, vector<2048xi32>
    %lt3A_611 = arith.cmpf olt, %select_n3A_609, %convert_element_type3A_461 : vector<2048xf32>
    %select_n3A_612 = arith.select %lt3A_611, %select_n3A_609, %select_n3A_457 : vector<2048xi1>, vector<2048xf32>
    %select_n3A_613 = arith.select %lt3A_611, %select_n3A_610, %select_n3A_458 : vector<2048xi1>, vector<2048xi32>
    %reshape3A_614 = vector.shape_cast %select_n3A_613 : vector<2048xi32> to vector<1x1x2048xi32>
    %swap3A = arith.constant 0 : index
    %swap3A_615 = arith.constant 0 : index
    %swap3A_616 = arith.constant 0 : index
    %swap3A_617 = vector.load %arg4[%swap3A, %swap3A_615, %swap3A_616] : memref<1x1x2048xi32, #tpu.memory_space<vmem>>, vector<1x1x2048xi32>
    tpu.vector_store %arg4[%swap3A, %swap3A_615, %swap3A_616], %reshape3A_614 {strides = array<i32>} : memref<1x1x2048xi32, #tpu.memory_space<vmem>>, vector<1x1x2048xi32>,
    %reduce_sum3A_618 = vector.shape_cast %select_n3A_612 : vector<2048xf32> to vector<1x2048xf32>
    %reduce_sum3A_619 = arith.constant dense<0.000000e+00> : vector<1xf32>
    %reduce_sum3A_620 = vector.multi_reduction <add>, %reduce_sum3A_618, %reduce_sum3A_619 [1] : vector<1x2048xf32> to vector<1xf32>
    %reduce_sum3A_621 = vector.shape_cast %reduce_sum3A_620 : vector<1xf32> to vector<1x1xf32>
    %reduce_sum3A_622 = vector.extract %reduce_sum3A_621[0, 0] : f32 from vector<1x1xf32>
    %eq3A = arith.constant 0 : i32
    %eq3A_623 = arith.cmpi eq, %arg0, %eq3A : i32
    %convert_element_type3A_624 = arith.extui %eq3A_623 : i1 to i32
    %cond3A = arith.constant 0 : i32
    %cond3A_625 = arith.cmpi ne, %convert_element_type3A_624, %cond3A : i32
    scf.if %cond3A_625 {
      %swap3A_630 = arith.constant 0 : index
      %swap3A_631 = arith.constant 0 : index
      %swap3A_632 = memref.load %arg5[%swap3A_630, %swap3A_631] : memref<1x1xf32, #tpu.memory_space<smem>>
      memref.store %reduce_sum3A_622, %arg5[%swap3A_630, %swap3A_631] : memref<1x1xf32, #tpu.memory_space<smem>>
    } else {
    }
    %ne3A = arith.constant 0 : i32
    %ne3A_626 = arith.cmpi ne, %arg0, %ne3A : i32
    %convert_element_type3A_627 = arith.extui %ne3A_626 : i1 to i32
    %cond3A_628 = arith.constant 0 : i32
    %cond3A_629 = arith.cmpi ne, %convert_element_type3A_627, %cond3A_628 : i32
    scf.if %cond3A_629 {
      %get3A_630 = arith.constant 0 : index
      %get3A_631 = arith.constant 0 : index
      %get3A_632 = memref.load %arg5[%get3A_630, %get3A_631] : memref<1x1xf32, #tpu.memory_space<smem>>
      %add3A_633 = arith.addf %get3A_632, %reduce_sum3A_622 : f32
      %swap3A_634 = arith.constant 0 : index
      %swap3A_635 = arith.constant 0 : index
      %swap3A_636 = memref.load %arg5[%swap3A_634, %swap3A_635] : memref<1x1xf32, #tpu.memory_space<smem>>
      memref.store %add3A_633, %arg5[%swap3A_634, %swap3A_635] : memref<1x1xf32, #tpu.memory_space<smem>>
    } else {
    }
    return
  }
  func.func @transform_0(%arg0: i32) -> (i32, i32) {
    %c0_i32 = arith.constant 0 : i32
    %c0_i32_0 = arith.constant 0 : i32
    return %arg0, %c0_i32 : i32, i32
  }
  func.func @transform_1(%arg0: i32) -> (i32, i32, i32) {
    %c0_i32 = arith.constant 0 : i32
    %c0_i32_0 = arith.constant 0 : i32
    %c0_i32_1 = arith.constant 0 : i32
    return %arg0, %c0_i32, %c0_i32_0 : i32, i32, i32
  }
  func.func @transform_2(%arg0: i32) -> (i32, i32) {
    %c0_i32 = arith.constant 0 : i32
    %c0_i32_0 = arith.constant 0 : i32
    %c0_i32_1 = arith.constant 0 : i32
    return %c0_i32, %c0_i32_0 : i32, i32
  }
  func.func @transform_3(%arg0: i32) -> (i32, i32, i32) {
    %c0_i32 = arith.constant 0 : i32
    %c0_i32_0 = arith.constant 0 : i32
    %c0_i32_1 = arith.constant 0 : i32
    return %arg0, %c0_i32, %c0_i32_0 : i32, i32, i32
  }
  func.func @transform_4(%arg0: i32) -> (i32, i32) {
    %c0_i32 = arith.constant 0 : i32
    %c0_i32_0 = arith.constant 0 : i32
    %c0_i32_1 = arith.constant 0 : i32
    return %c0_i32, %c0_i32_0 : i32, i32
  }
}

</mosaic_0001>

<sc_bundles>
// kernel: kernel.4.cloned.1.call-start
scs
__scs_entry_jumppad:
0x0: {  	(pc) =	sbr.rel $0x88, $3  }
0x1: {  	(tag) =	ssettag $0x0;
	lr =	simm.s32 $0x1  }
0x2: {  	[smem:$0x3F9F] =	sst lr;
	_ =	strace $0xD0000000  }
0x3: {  	_ = 	snop  }
0x4: {  	_ = 	snop  }
0x5: {  	_ = 	snop  }
0x6: {  	_ = 	snop  }
0x7: {  	_ = 	snop  }
__scs_overlays_trampoline_lowered:
0x8: {  	[smem:$0x3FAE] =	sst s0  }
0x9: {  	[smem:$0x3FAF] =	sst s1  }
0xa: {  	[smem:$0x3FB0] =	sst s2  }
0xb: {  	[smem:$0x3FB1] =	sst s3  }
0xc: {  	[smem:$0x3FB2] =	sst s4  }
0xd: {  	[smem:$0x3FB3] =	sst s5  }
0xe: {  	[smem:$0x3FB4] =	sst s6  }
0xf: {  	[smem:$0x3FB5] =	sst s7  }
0x10: {  	[smem:$0x3FB6] =	sst s8  }
0x11: {  	[smem:$0x3FB7] =	sst s9;
	s0 =	simm.s32 @!p0 $0x0  }
0x12: {  	s1 =	sld [smem:$0x3F9D];
	s0 =	simm.s32 @p0 $0x1  }
0x13: {  	[smem:$0x3FB8] =	sst s0;
	s0 =	simm.s32 @!p1 $0x0  }
0x14: {  	s2 =	sld [smem:$0x3F9C];
	s0 =	simm.s32 @p1 $0x1  }
0x15: {  	[smem:$0x3FB9] =	sst s0;
	s0 =	simm.s32 @!p2 $0x0  }
0x16: {  	s3 =	sld [smem:$0x3FDB];
	s0 =	simm.s32 @p2 $0x1  }
0x17: {  	s4 =	simm.s32 $0x1BF5;
	[smem:$0x3FBB] =	sst s0  }
0x18: {  	s0 =	sld [smem:$0x3F9E];
	_ =	swait.ge [sflag:s4], $0x0  }
0x19: {  	s7 =	sld [smem:$0x3F9F]  }
0x1a: {  	s8 =	sadd.s32 $0xFFFFE003, lr  }
0x1b: {  	s9 =	sadd.s32 $0xFFFFFEF7, lr;
	s5 =	simm.s32 $0xFFFFFFFF;
	p2 =	slt.u32 s8, $0xFFFFF086  }
0x1c: {  	p1 =	slt.u32 s9, $0xF7A;
	s5 =	simm.s32 @!p2 $0x0  }
0x1d: {  	s5 =	simm.s32 @p1 $0x1;
	p0 =	seq.s32 s7, s2  }
0x1e: {  	s7 =	smul.u32 @!p0 $0xF7A, s2;
	p2 =	seq.s32 @!p0 s5, $0x0  }
0x1f: {  	s9 =	smul.u32 $0xF7A, s1;
	s8 =	simm.s32 @!p0 $0x1BF5;
	p2 =	por !p2, p0  }
0x20: {  	[sflag:s8] =	ssyncset.s32 @!p0 $0xFFFFF086;
	s6 =	sadd.s32 @!p0 s3, s7;
	s7 =	simm.s32 @!p0 $0x108  }
0x21: {  	s3 =	sadd.s32 s3, s9;
	s6 =	sadd.s32 @!p0 $0x88, s6;
	s7 =	simm.s32 @p2 $0x1082  }
0x22: {  	[simem:s7], [sflag:s8] =	dma.local @!p0 [hbm:s6], $0xF7A  }
0x23: {  	s9 =	sor.u32 $0xD0000000, s2;
	s6 =	simm.s32 $0x108;
	_ =	swait.ge @!p0 [sflag:s8], $0x0  }
0x24: {  	s3 =	sadd.s32 $0x88, s3;
	s6 =	simm.s32 @!p1 $0x1082;
	[sflag:s4] =	ssyncset.s32 $0xFFFFF086  }
0x25: {  	[simem:s6], [sflag:s4] =	dma.local [hbm:s3], $0xF7A  }
0x26: {  	[smem:$0x3F9F] =	sst s1;
	(tag) =	ssettag s2;
	_ =	strace s9  }
0x27: {  	s1 =	sld [smem:$0x3FAF]  }
0x28: {  	s2 =	sld [smem:$0x3FB0]  }
0x29: {  	s4 =	sld [smem:$0x3FB2]  }
0x2a: {  	p0 =	seq.s32 s5, $0x0;
	s5 =	sld [smem:$0x3FB3]  }
0x2b: {  	s6 =	sld [smem:$0x3FB4]  }
0x2c: {  	s7 =	sld [smem:$0x3FB5]  }
0x2d: {  	s3 =	simm.s32 $0x108;
	s8 =	sld [smem:$0x3FB6]  }
0x2e: {  	s3 =	simm.s32 @!p0 $0x1082;
	s9 =	sld [smem:$0x3FB7]  }
0x2f: {  	lr =	sadd.s32 s0, s3;
	s0 =	sld [smem:$0x3FAE]  }
0x30: {  	s3 =	sld [smem:$0x3FB1]  }
0x31: {  	[smem:$0x3FBA] =	sst s10  }
0x32: {  	s10 =	sld [smem:$0x3FB8];
	_ =	sdelay $0x3  }
0x33: {  	p0 =	seq.s32 s10, $0x1;
	s10 =	sld [smem:$0x3FBA];
	_ =	sdelay $0x3  }
0x34: {  	[smem:$0x3FBA] =	sst s10  }
0x35: {  	s10 =	sld [smem:$0x3FB9];
	_ =	sdelay $0x3  }
0x36: {  	p1 =	seq.s32 s10, $0x1;
	s10 =	sld [smem:$0x3FBA];
	_ =	sdelay $0x3  }
0x37: {  	[smem:$0x3FBA] =	sst s10  }
0x38: {  	s10 =	sld [smem:$0x3FBB]  }
0x39: {  	_ = 	snop;
	(pc) =	sbr.ind lr, $3  }
0x3a: {  	_ = 	snop  }
0x3b: {  	_ = 	snop  }
0x3c: {  	p2 =	seq.s32 s10, $0x1;
	s10 =	sld [smem:$0x3FBA]  }
0x3d: {  	_ =	shalt  }
0x3e: {  	_ =	shalt  }
0x3f: {  	_ =	shalt  }
0x40: {  	_ =	shalt  }
0x41: {  	_ =	shalt  }
0x42: {  	_ =	shalt  }
0x43: {  	_ =	shalt  }
0x44: {  	_ =	shalt  }
0x45: {  	_ =	shalt  }
0x46: {  	_ =	shalt  }
0x47: {  	_ =	shalt  }
0x48: {  	_ =	shalt  }
0x49: {  	_ =	shalt  }
0x4a: {  	_ =	shalt  }
0x4b: {  	_ =	shalt  }
0x4c: {  	_ =	shalt  }
0x4d: {  	_ =	shalt  }
0x4e: {  	_ =	shalt  }
0x4f: {  	_ =	shalt  }
0x50: {  	_ =	shalt  }
0x51: {  	_ =	shalt  }
0x52: {  	_ =	shalt  }
0x53: {  	_ =	shalt  }
0x54: {  	_ =	shalt  }
0x55: {  	_ =	shalt  }
0x56: {  	_ =	shalt  }
0x57: {  	_ =	shalt  }
0x58: {  	_ =	shalt  }
0x59: {  	_ =	shalt  }
0x5a: {  	_ =	shalt  }
0x5b: {  	_ =	shalt  }
0x5c: {  	_ =	shalt  }
0x5d: {  	_ =	shalt  }
0x5e: {  	_ =	shalt  }
0x5f: {  	_ =	shalt  }
0x60: {  	_ =	shalt  }
0x61: {  	_ =	shalt  }
0x62: {  	_ =	shalt  }
0x63: {  	_ =	shalt  }
0x64: {  	_ =	shalt  }
0x65: {  	_ =	shalt  }
0x66: {  	_ =	shalt  }
0x67: {  	_ =	shalt  }
0x68: {  	_ =	shalt  }
0x69: {  	_ =	shalt  }
0x6a: {  	_ =	shalt  }
0x6b: {  	_ =	shalt  }
0x6c: {  	_ =	shalt  }
0x6d: {  	_ =	shalt  }
0x6e: {  	_ =	shalt  }
0x6f: {  	_ =	shalt  }
0x70: {  	_ =	shalt  }
0x71: {  	_ =	shalt  }
0x72: {  	_ =	shalt  }
0x73: {  	_ =	shalt  }
0x74: {  	_ =	shalt  }
0x75: {  	_ =	shalt  }
0x76: {  	_ =	shalt  }
0x77: {  	_ =	shalt  }
0x78: {  	_ =	shalt  }
0x79: {  	_ =	shalt  }
0x7a: {  	_ =	shalt  }
0x7b: {  	_ =	shalt  }
0x7c: {  	_ =	shalt  }
0x7d: {  	_ =	shalt  }
0x7e: {  	_ =	shalt  }
0x7f: {  	_ =	shalt  }
0x80: {  	_ =	shalt  }
0x81: {  	_ =	shalt  }
0x82: {  	_ =	shalt  }
0x83: {  	_ =	shalt  }
0x84: {  	_ =	shalt  }
0x85: {  	_ =	shalt  }
0x86: {  	_ =	shalt  }
0x87: {  	_ =	shalt  }
.Lfunc_end0:
.L_simem_size_0:
called_computation_lowered:
.L_overlay_start_0:
0x88: {  	s2 =	sld [smem:$0x3FD9]  }
0x89: {  	s3 =	sld [smem:$0x3FFE];
	_ =	sdelay $0x1  }
0x8a: {  	s1 =	srdreg.scid  }
0x8b: {  	s0 =	sand.u32 $0x1, s1  }
0x8c: {  	s14 =	sshll.u32 s0, $0xA;
	s2 =	sadd.s32 s3, s2  }
0x8d: {  	s2 =	sadd.s32 s2, s14  }
0x8e: {  	[smem:$0x3FC6] =	sst s2  }
0x8f: {  	_ = 	snop  }
0x90: {  	s2 =	sld [smem:$0x3FD0];
	_ =	sdelay $0x2  }
0x91: {  	s15 =	simm.s32 $0xA;
	s4 =	simm.s32 $0x10  }
0x92: {  	[smem:s4], [sflag:s15] =	dma.local [hbm:s2], $0x1  }
0x93: {  	_ =	swait.eq [sflag:s15], $0x1  }
0x94: {  	[sflag:s15] =	ssyncset.done $0x0  }
0x95: {  	s16 =	sld [smem:$0x10];
	[sflag:s15] =	ssyncadd.s32 $0xFFFFFFFF  }
0x96: {  	s17 =	sld [smem:$0x12];
	(tm) =	ssettm $0x1  }
0x97: {  	s18 =	sld [smem:$0x3FFB];
	_ =	sdelay $0x3  }
0x98: {  	_ =	strace s18  }
0x99: {  	s4 =	sld [smem:$0x3FFC];
	_ =	sdelay $0x3  }
0x9a: {  	_ =	strace s4  }
0x9b: {  	s4 =	sld [smem:$0x3FFD];
	_ =	sdelay $0x3  }
0x9c: {  	_ =	strace s4  }
0x9d: {  	_ =	strace $0x8FFFFFFF  }
0x9e: {  	s19 =	sld [smem:$0x3FDB];
	_ =	sdelay $0x1  }
0x9f: {  	s5 =	simm.s32 $_scs_section_size  }
0xa0: {  	s6 =	simm.s32 $_size__tile_overlayer_lowered;
	s7 =	simm.s32 $_tile_overlayer_lowered  }
0xa1: {  	s22 =	simm.s32 $0x1BFF;
	s21 =	sshll.u32 s7, $0x1;
	s4 =	sadd.s32 s5, s19  }
0xa2: {  	s8 =	simm.s32 $0x0;
	s20 =	sshll.u32 s6, $0x1;
	s6 =	sadd.s32 s21, s4  }
0xa3: {  	[timem:s8], [sflag:s22] =	dma.local [hbm:s6], s20  }
0xa4: {  	_ =	swait.ge [sflag:s22], s20  }
0xa5: {  	s5 =	ssub.s32 $0x0, s20;
	[sflag:s22] =	ssyncset.done $0x0  }
0xa6: {  	[sflag:s22] =	ssyncadd.s32 s5;
	_ =	sdelay $0x1  }
0xa7: {  	s23 =	simm.s32 $0x1B8B  }
0xa8: {  	_ =	swait.ge [sflag:s23], $0x1  }
0xa9: {  	[sflag:s23] =	ssyncset.done $0x0  }
0xaa: {  	s25 =	simm.s32 $0x1B8E;
	s24 =	sld [smem:$0x3FFE];
	[sflag:s23] =	ssyncadd.s32 $0xFFFFFFFF  }
0xab: {  	s26 =	simm.s32 $execute0_lowered;
	[smem:$0x3FD2] =	sst s25  }
0xac: {  	s6 =	sshll.u32 s26, $0x1;
	_ =	strace $0x80000046;
	[dreg:$0x1] =	wrdreg $0xFFFFFFFF  }
0xad: {  	s28 =	simm.s32 $_size_execute0_lowered;
	s4 =	sadd.s32 s4, s6;
	[dreg:$0x0] =	wrdreg $0x0  }
0xae: {  	s6 =	sshll.u32 s28, $0x1;
	[dreg:$0x2] =	wrdreg s4  }
0xaf: {  	[dreg:$0x3] =	wrdreg s6  }
0xb0: {  	[dreg:$0x4] =	wrdreg $0xC0  }
0xb1: {  	_ =	task [dreg:s8], $0x5FFFF  }
0xb2: {  	[dreg:$0x1] =	wrdreg $0xFFFFFFFF  }
0xb3: {  	[dreg:$0x0] =	wrdreg $0x60  }
0xb4: {  	[dreg:$0x2] =	wrdreg s16  }
0xb5: {  	[dreg:$0x3] =	wrdreg s17  }
0xb6: {  	[dreg:$0x4] =	wrdreg s24  }
0xb7: {  	[dreg:$0x5] =	wrdreg $0x9  }
0xb8: {  	_ =	task.clear_ibuf [dreg:s8], $0x6FFFF;
	_ =	strace $0x90000046  }
0xb9: {  	s29 =	simm.s32 $0x9;
	_ =	strace $0x80000048  }
0xba: {  	_ =	swait.ge [sflag:s29], $0x1  }
0xbb: {  	[sflag:s29] =	ssyncadd.s32 $0xFFFFFFFF  }
0xbc: {  	_ =	strace $0x90000048  }
0xbd: {  	_ =	sfence  }
0xbe: {  	s30 =	sld [smem:$0x0];
	_ =	sdelay $0x2  }
0xbf: {  	s31 =	sshll.u32 s1, $0xD;
	s1 =	sshrl.u32 s1, $0x2  }
0xc0: {  	s3 =	sand.u32 $0x4000, s31;
	s1 =	sadd.s32 s1, s30  }
0xc1: {  	s0 =	sor.u32 s3, s0;
	s1 =	sshll.u32 s1, $0x11  }
0xc2: {  	s0 =	sor.u32 s1, s0  }
0xc3: {  	s0 =	sadd.s32 $0x8F2B, s0  }
0xc4: {  	[sflag:s0] =	ssyncadd.remote.s32 $0x1  }
0xc5: {  	_ =	sfence.sel $0xFFFF  }
0xc6: {  	[dreg:$0x0] =	wrdreg $0xFFFFFFFF;
	(pc) =	sbr.abs _section_cstart, $3  }
0xc7: {  	[dreg:$0x1] =	wrdreg $0xFFFFFFFF  }
0xc8: {  	_ =	task.clear_ibuf [dreg:s8], $0x2FFFF;
	_ =	strace $0x9FFFFFFF  }
0xc9: {  	(tm) =	ssettm $0x7FFFFFFF  }
tec
execute0_lowered:
.L_overlay_start_1:
0x0: {  	(tag) =	ssettag $0x1  }
0x1: {  	s1 =	rddreg [dreg:$0x0];
	s2 =	srdreg.scid  }
0x2: {  	s4 =	rddreg [dreg:$0x1];
	s0 =	stileid.u32  }
0x3: {  	s8 =	rddreg [dreg:$0x2];
	s3 =	simm.s32 $0x0;
	s6 =	sand.u32 $0x1, s2  }
0x4: {  	s5 =	sshll.u32 s0, $0x9;
	s2 =	rddreg [dreg:$0x3];
	s7 =	sshll.u32 s6, $0x8  }
0x5: {  	[smem:$0x7FF] =	sst s3;
	s9 =	sor.u32 s7, s5  }
0x6: {  	_ =	strace $0x80000047;
	s10 =	ssub.s32 $0x2, s6;
	s5 =	sshrl.u32 s9, $0x3  }
0x7: {  	s6 =	simm.s32 $0x100;
	s5 =	sadd.s32 s4, s5;
	s4 =	simm.s32 $0x2  }
0x8: {  	[tilespmem:s3], [sflag:$0x2] =	stream.linear.gather [hbm4b:s5+s3], $0x100, $0x38;
	[tilespmem:$0x2100] =	vst v63  }
0x9: {  	s7 =	simm.s32 $0x1;
	s11 =	sshrl.u32 s10, $0x1;
	_ =	swait.ge [sflag:s4], $0x100  }
0xa: {  	s9 =	sshll.u32 s9, $0x2;
	s31 =	ssub.s32 s10, s11;
	[sflag:s4] =	ssyncset.done $0x0  }
0xb: {  	s8 =	sadd.s32 s9, s8;
	s9 =	smax.u32 s31, $0x1;
	[sflag:s4] =	ssyncadd.s32 $0xFFFFFF00  }
0xc: {  	[tilespmem:s6], [sflag:$0x1] =	stream.indirect.gather [hbm4b:s1+s6], $0x20, s3, s6, $0xb8;
	[tilespmem:$0x2100] =	vst v63  }
0xd: {  	p0 =	sne.s32 s9, $0x1;
	_ =	swait.ge [sflag:s7], $0x2000  }
.Ltmp0:
0xe: {  	[sflag:s7] =	ssyncset.done $0x0;
	(pc) =	sbr.rel @!p0 .LBB2_2-.Ltmp0, $4  }
0xf: {  	s8 =	sadd.s32 $0x400, s8;
	[sflag:s7] =	ssyncadd.s32 $0xFFFFE000  }
0x10: {  	[hbm4b:s8+s3] =	stream.linear.scatter [tilespmem:s6], [sflag:$0x2], $0x2000, $0x38;
	[tilespmem:$0x2100] =	vst v63  }
0x11: {  	_ =	swait.ge [sflag:s4], $0x2000  }
0x12: {  	s9 =	sadd.s32 $0xFFFFFFFF, s9;
	[sflag:s4] =	ssyncset.done $0x0  }
.LBB2_1:
0x13: {  	p0 =	sne.s32 s9, $0x1;
	s9 =	sadd.s32 $0xFFFFFFFF, s9;
	[sflag:s4] =	ssyncadd.s32 $0xFFFFE000  }
0x14: {  	[tilespmem:s3], [sflag:$0x2] =	stream.linear.gather [hbm4b:s5+s3], $0x100, $0x38;
	[tilespmem:$0x2100] =	vst v63  }
0x15: {  	_ =	swait.ge [sflag:s4], $0x100  }
0x16: {  	[sflag:s4] =	ssyncset.done $0x0  }
0x17: {  	[sflag:s4] =	ssyncadd.s32 $0xFFFFFF00  }
0x18: {  	[tilespmem:s6], [sflag:$0x1] =	stream.indirect.gather [hbm4b:s1+s6], $0x20, s3, s6, $0xb8;
	[tilespmem:$0x2100] =	vst v63  }
0x19: {  	_ =	swait.ge [sflag:s7], $0x2000  }
.Ltmp1:
0x1a: {  	[sflag:s7] =	ssyncset.done $0x0;
	(pc) =	sbr.rel @p0 .LBB2_1-.Ltmp1, $4  }
0x1b: {  	[sflag:s7] =	ssyncadd.s32 $0xFFFFE000  }
0x1c: {  	[hbm4b:s8+s3] =	stream.linear.scatter [tilespmem:s6], [sflag:$0x2], $0x2000, $0x38;
	[tilespmem:$0x2100] =	vst v63  }
0x1d: {  	_ =	swait.ge [sflag:s4], $0x2000  }
0x1e: {  	[sflag:s4] =	ssyncset.done $0x0  }
.LBB2_2:
0x1f: {  	[sflag:s4] =	ssyncadd.s32 $0xFFFFE000  }
0x20: {  	_ =	sfence.sel $0x180000  }
0x21: {  	[bflag:$0x0] =	sbarrier.arrive $0xFFFF  }
0x22: {  	p0 =	sne.s32 s0, $0x0;
	_ =	strace $0x90000047  }
0x23: {  	s0 =	sadd.s32 @!p0 $0x100000, s2;
	[bflag:$0x2] =	sbarrier.arrive $0xFFFF  }
0x24: {  	[sflag:s0] =	ssyncadd.tile.s32 @!p0 $0x1;
	_ =	shalt  }
.Lfunc_end2:
_tile_overlayer_lowered:
.L_overlay_start_2:
0x25: {  	(tag) =	ssettag $0x2  }
0x26: {  	s0 =	rddreg [dreg:$0x0];
	s2 =	stileid.u32  }
0x27: {  	s1 =	rddreg [dreg:$0x1];
	p0 =	sne.s32 s2, $0x0  }
0x28: {  	s3 =	rddreg [dreg:$0x2];
	[bflag:$0x3] =	sbarrier.arrive $0xFFFF;
	s2 =	simm.s32 @!p0 $0x1C02  }
0x29: {  	[timem:s3], [sflag:s2] =	dma.local @!p0 [hbm:s0], s1  }
0x2a: {  	s0 =	simm.s32 @!p0 $0x2  }
0x2b: {  	_ =	swait.ge @!p0 [sflag:s0], s1  }
0x2c: {  	s1 =	ssub.s32 @!p0 $0x0, s1;
	[sflag:s0] =	ssyncset.done @!p0 $0x0  }
0x2d: {  	[sflag:s0] =	ssyncadd.s32 @!p0 s1  }
0x2e: {  	[bflag:$0x3] =	sbarrier.arrive $0xFFFF  }
0x2f: {  	_ =	shalt  }

</sc_bundles>
